<compile_context>
chip_gen: v7x
topology: tpu7x:2x2x1
jax: 0.10.2.dev20260603
libtpu: 0.0.44.dev20260713+nightly
codegen_flags: <defaults>
</compile_context>

<pallas_src>
import functools

import jax
import jax.numpy as jnp
from jax import lax
from jax.experimental import pallas as pl
from jax.experimental.pallas import tpu as pltpu
from jax.experimental.pallas import tpu_sc as plsc

B = 16384
F = 26
NC = 2
NS = 16
NW = NC * NS
BPW = B // NW
CHUNK = BPW * F
FIELD = 40000


def _sc_kernel(xt_hbm, bias_hbm, tbl_hbm, out_hbm,
               xbuf_v, idx_v, vals_v, bias_v, obuf_v, tstage_v, tstage2_v,
               tbl_sp, sem, tsem, ssem, gsem, gsem2):
    sid = lax.axis_index("s")
    wid = lax.axis_index("c") * NS + sid

    tpw = 1040000 // NS
    tbase = sid * tpw
    sizes = (11000, 11000, 11000, 11000, 11000, 10000)
    offs = (0, 11000, 22000, 33000, 44000, 55000)
    NH = len(sizes)
    bufs = (tstage_v, tstage2_v)
    fetch = [None] * NH
    store = [None] * NH
    fetch[0] = pltpu.async_copy(tbl_hbm.at[pl.ds(tbase, sizes[0])],
                                bufs[0].at[pl.ds(0, sizes[0])], tsem)
    xdesc = pltpu.async_copy(xt_hbm.at[:, pl.ds(wid * BPW, BPW)], xbuf_v, sem)
    pltpu.sync_copy(bias_hbm, bias_v)
    for k in range(NH):
        fetch[k].wait()
        store[k] = pltpu.async_copy(
            bufs[k % 2].at[pl.ds(0, sizes[k])],
            tbl_sp.at[pl.ds(tbase + offs[k], sizes[k])], ssem)
        if k < NH - 1:
            if k >= 1:
                store[k - 1].wait()
            fetch[k + 1] = pltpu.async_copy(
                tbl_hbm.at[pl.ds(tbase + offs[k + 1], sizes[k + 1])],
                bufs[(k + 1) % 2].at[pl.ds(0, sizes[k + 1])], tsem)
    xdesc.wait()

    def build_idx(c, _):
        r = c * 16
        for f in range(F):
            idx_v[pl.ds(f * BPW + r, 16)] = xbuf_v[f, pl.ds(r, 16)] + (f * FIELD)
        return _
    lax.fori_loop(0, BPW // 16, build_idx, 0)

    store[NH - 2].wait()
    store[NH - 1].wait()
    plsc.subcore_barrier()

    HALF = (F // 2) * BPW
    g1 = pltpu.async_copy(tbl_sp.at[idx_v.at[pl.ds(0, HALF)]],
                          vals_v.at[pl.ds(0, HALF)], gsem)
    g2 = pltpu.async_copy(tbl_sp.at[idx_v.at[pl.ds(HALF, CHUNK - HALF)]],
                          vals_v.at[pl.ds(HALF, CHUNK - HALF)], gsem2)
    bias16 = bias_v[...]
    g1.wait()

    def reduce_lo(c, _):
        r = c * 16
        acc = vals_v[pl.ds(r, 16)]
        for f in range(1, F // 2):
            acc = acc + vals_v[pl.ds(f * BPW + r, 16)]
        obuf_v[pl.ds(r, 16)] = acc + bias16
        return _
    lax.fori_loop(0, BPW // 16, reduce_lo, 0)
    g2.wait()

    def reduce_hi(c, _):
        r = c * 16
        acc = obuf_v[pl.ds(r, 16)]
        for f in range(F // 2, F):
            acc = acc + vals_v[pl.ds(f * BPW + r, 16)]
        obuf_v[pl.ds(r, 16)] = acc
        return _
    lax.fori_loop(0, BPW // 16, reduce_hi, 0)

    pltpu.sync_copy(obuf_v, out_hbm.at[pl.ds(wid * BPW, BPW)])


@jax.jit
def kernel(x, table, bias):
    xt = x.astype(jnp.int32).T
    tbl_flat = table.reshape(-1)
    bias16 = jnp.broadcast_to(bias.astype(jnp.float32), (16,))

    run = functools.partial(
        pl.kernel,
        mesh=plsc.VectorSubcoreMesh(core_axis_name="c", subcore_axis_name="s"),
        out_type=jax.ShapeDtypeStruct((B,), jnp.float32),
        compiler_params=pltpu.CompilerParams(needs_layout_passes=False),
        scratch_types=[
            pltpu.VMEM((F, BPW), jnp.int32),
            pltpu.VMEM((CHUNK,), jnp.int32),
            pltpu.VMEM((CHUNK,), jnp.float32),
            pltpu.VMEM((16,), jnp.float32),
            pltpu.VMEM((BPW,), jnp.float32),
            pltpu.VMEM((11000,), jnp.float32),
            pltpu.VMEM((11000,), jnp.float32),
            pltpu.VMEM_SHARED((1040000,), jnp.float32),
            pltpu.SemaphoreType.DMA,
            pltpu.SemaphoreType.DMA,
            pltpu.SemaphoreType.DMA,
            pltpu.SemaphoreType.DMA,
            pltpu.SemaphoreType.DMA,
        ],
    )(_sc_kernel)

    out = run(xt, bias16, tbl_flat)
    return out.reshape(B, 1)

# --- scband reference (transcript-rebuilt; emitter-appended) ---
"""Pipeline reference for scband-features-linear-11003706212545 (READ-ONLY COPY).

The authoritative reference and input builder live on the scoring server;
editing this copy changes nothing except your own understanding.
"""

import jax, jax.numpy as jnp
import numpy as np

FIELD_DIMS = [40000] * 26
OUTPUT_DIM = 1


def setup_inputs(seed: int = 0) -> dict:
    key = jax.random.key(seed)
    k1, k2 = jax.random.split(key)
    x = jax.random.randint(k1, (16384, 26), 0, 40000, dtype=jnp.int64 if jax.config.jax_enable_x64 else jnp.int32)
    table = jax.random.normal(k2, (sum(FIELD_DIMS), OUTPUT_DIM), dtype=jnp.float32) * 0.01
    bias = jnp.zeros((OUTPUT_DIM,), dtype=jnp.float32)
    return {"x": x, "table": table, "bias": bias}


def reference(x, table, bias):
    # offsets: cumulative start index of each field in the fused embedding table
    offsets = jnp.asarray(np.array((0, *np.cumsum(FIELD_DIMS)[:-1]), dtype=np.int64), dtype=x.dtype)
    idx = x + offsets[None, :]  # [B, F]
    emb = jnp.take(table, idx, axis=0)  # [B, F, output_dim]
    out = jnp.sum(emb, axis=1) + bias  # [B, output_dim]
    return out

if __name__ == "__main__":
    import jax
    _d = setup_inputs()
    print(jax.jit(kernel)(*tuple(_d.values())))

</pallas_src>

<mosaic_0001>
#map = affine_map<(d0, d1) -> (0, 0)>
#map1 = affine_map<(d0, d1) -> (0)>
module attributes {stable_mosaic.version = 14 : i64} {
  func.func @_sc_kernel(%arg0: i32, %arg1: i32, %arg2: memref<26x16384xi32, #tpu.memory_space<hbm>>, %arg3: memref<16xf32, #tpu.memory_space<hbm>>, %arg4: memref<1040000xf32, #tpu.memory_space<hbm>>, %arg5: memref<16384xf32, #tpu.memory_space<hbm>>, %arg6: memref<26x512xi32, #tpu.memory_space<vmem>>, %arg7: memref<13312xi32, #tpu.memory_space<vmem>>, %arg8: memref<13312xf32, #tpu.memory_space<vmem>>, %arg9: memref<16xf32, #tpu.memory_space<vmem>>, %arg10: memref<512xf32, #tpu.memory_space<vmem>>, %arg11: memref<11000xf32, #tpu.memory_space<vmem>>, %arg12: memref<11000xf32, #tpu.memory_space<vmem>>, %arg13: memref<1040000xf32, #tpu.memory_space<vmem_shared>>, %arg14: memref<!tpu.dma_semaphore, #tpu.memory_space<semaphore_mem>>, %arg15: memref<!tpu.dma_semaphore, #tpu.memory_space<semaphore_mem>>, %arg16: memref<!tpu.dma_semaphore, #tpu.memory_space<semaphore_mem>>, %arg17: memref<!tpu.dma_semaphore, #tpu.memory_space<semaphore_mem>>, %arg18: memref<!tpu.dma_semaphore, #tpu.memory_space<semaphore_mem>>) attributes {dimension_semantics = [#tpu.dimension_semantics<core_parallel>, #tpu.dimension_semantics<subcore_parallel>], iteration_bounds = array<i64: 2, 16>, scalar_prefetch = 0 : i64, scratch_operands = 13 : i64, tpu.core_type = #tpu.core_type<sc_vector_subcore>, window_params = [{transform_indices = #map}, {transform_indices = #map1}, {transform_indices = #map1}, {transform_indices = #map1}]} {
    %mul3A = arith.constant 16 : i32
    %mul3A_0 = arith.muli %arg0, %mul3A : i32
    %add3A = arith.addi %mul3A_0, %arg1 : i32
    %mul3A_1 = arith.constant 65000 : i32
    %mul3A_2 = arith.muli %arg1, %mul3A_1 : i32
    %dma_start3A = arith.constant 0 : i32
    %dma_start3A_3 = tpu.memref_slice %arg11[%dma_start3A] : memref<11000xf32, #tpu.memory_space<vmem>> -> memref<11000xf32, #tpu.memory_space<vmem>>
    %dma_start3A_4 = tpu.memref_slice %arg4[%mul3A_2] : memref<1040000xf32, #tpu.memory_space<hbm>> -> memref<11000xf32, #tpu.memory_space<hbm>>
    %dma_start3A_5 = arith.constant 0 : i32
    %dma_start3A_6 = tpu.memref_slice %arg11[%dma_start3A_5] : memref<11000xf32, #tpu.memory_space<vmem>> -> memref<11000xf32, #tpu.memory_space<vmem>>
    %dma_start3A_7 = tpu.memref_slice %arg4[%mul3A_2] : memref<1040000xf32, #tpu.memory_space<hbm>> -> memref<11000xf32, #tpu.memory_space<hbm>>
    tpu.enqueue_dma source(%dma_start3A_7 : memref<11000xf32, #tpu.memory_space<hbm>>) target(%dma_start3A_6 : memref<11000xf32, #tpu.memory_space<vmem>>) target_semaphore(%arg15 : memref<!tpu.dma_semaphore, #tpu.memory_space<semaphore_mem>>)
    %mul3A_8 = arith.constant 512 : i32
    %mul3A_9 = arith.muli %add3A, %mul3A_8 : i32
    %dma_start3A_10 = arith.constant 0 : i32
    %dma_start3A_11 = tpu.memref_slice %arg2[%dma_start3A_10, %mul3A_9] : memref<26x16384xi32, #tpu.memory_space<hbm>> -> memref<26x512xi32, #tpu.memory_space<hbm>>
    %dma_start3A_12 = arith.constant 0 : i32
    %dma_start3A_13 = tpu.memref_slice %arg2[%dma_start3A_12, %mul3A_9] : memref<26x16384xi32, #tpu.memory_space<hbm>> -> memref<26x512xi32, #tpu.memory_space<hbm>>
    tpu.enqueue_dma source(%dma_start3A_13 : memref<26x512xi32, #tpu.memory_space<hbm>>) target(%arg6 : memref<26x512xi32, #tpu.memory_space<vmem>>) target_semaphore(%arg14 : memref<!tpu.dma_semaphore, #tpu.memory_space<semaphore_mem>>)
    "tpu.region"() ({
      %run_scoped3A = tpu.sem_alloc : memref<!tpu.dma_semaphore, #tpu.memory_space<semaphore_mem>>
      tpu.enqueue_dma source(%arg3 : memref<16xf32, #tpu.memory_space<hbm>>) target(%arg9 : memref<16xf32, #tpu.memory_space<vmem>>) target_semaphore(%run_scoped3A : memref<!tpu.dma_semaphore, #tpu.memory_space<semaphore_mem>>)
      tpu.wait_dma2 semaphore(%run_scoped3A : memref<!tpu.dma_semaphore, #tpu.memory_space<semaphore_mem>>) src(%arg3 : memref<16xf32, #tpu.memory_space<hbm>>) dst(%arg9 : memref<16xf32, #tpu.memory_space<vmem>>)
      tpu.yield
    }) : () -> ()
    %dma_wait3A = arith.constant 0 : i32
    %dma_wait3A_14 = tpu.memref_slice %arg11[%dma_wait3A] : memref<11000xf32, #tpu.memory_space<vmem>> -> memref<11000xf32, #tpu.memory_space<vmem>>
    %dma_wait3A_15 = tpu.memref_slice %arg4[%mul3A_2] : memref<1040000xf32, #tpu.memory_space<hbm>> -> memref<11000xf32, #tpu.memory_space<hbm>>
    %dma_wait3A_16 = arith.constant 0 : i32
    %dma_wait3A_17 = tpu.memref_slice %arg11[%dma_wait3A_16] : memref<11000xf32, #tpu.memory_space<vmem>> -> memref<11000xf32, #tpu.memory_space<vmem>>
    %dma_wait3A_18 = tpu.memref_slice %arg4[%mul3A_2] : memref<1040000xf32, #tpu.memory_space<hbm>> -> memref<11000xf32, #tpu.memory_space<hbm>>
    tpu.wait_dma2 semaphore(%arg15 : memref<!tpu.dma_semaphore, #tpu.memory_space<semaphore_mem>>) src(%dma_wait3A_18 : memref<11000xf32, #tpu.memory_space<hbm>>) dst(%dma_wait3A_17 : memref<11000xf32, #tpu.memory_space<vmem>>)
    %add3A_19 = arith.constant 0 : i32
    %add3A_20 = arith.addi %mul3A_2, %add3A_19 : i32
    %dma_start3A_21 = arith.constant 0 : i32
    %dma_start3A_22 = tpu.memref_slice %arg11[%dma_start3A_21] : memref<11000xf32, #tpu.memory_space<vmem>> -> memref<11000xf32, #tpu.memory_space<vmem>>
    %dma_start3A_23 = tpu.memref_slice %arg13[%add3A_20] : memref<1040000xf32, #tpu.memory_space<vmem_shared>> -> memref<11000xf32, #tpu.memory_space<vmem_shared>>
    %dma_start3A_24 = tpu.memref_slice %arg13[%add3A_20] : memref<1040000xf32, #tpu.memory_space<vmem_shared>> -> memref<11000xf32, #tpu.memory_space<vmem_shared>>
    %dma_start3A_25 = arith.constant 0 : i32
    %dma_start3A_26 = tpu.memref_slice %arg11[%dma_start3A_25] : memref<11000xf32, #tpu.memory_space<vmem>> -> memref<11000xf32, #tpu.memory_space<vmem>>
    tpu.enqueue_dma source(%dma_start3A_26 : memref<11000xf32, #tpu.memory_space<vmem>>) target(%dma_start3A_24 : memref<11000xf32, #tpu.memory_space<vmem_shared>>) target_semaphore(%arg16 : memref<!tpu.dma_semaphore, #tpu.memory_space<semaphore_mem>>)
    %add3A_27 = arith.constant 11000 : i32
    %add3A_28 = arith.addi %mul3A_2, %add3A_27 : i32
    %dma_start3A_29 = arith.constant 0 : i32
    %dma_start3A_30 = tpu.memref_slice %arg12[%dma_start3A_29] : memref<11000xf32, #tpu.memory_space<vmem>> -> memref<11000xf32, #tpu.memory_space<vmem>>
    %dma_start3A_31 = tpu.memref_slice %arg4[%add3A_28] : memref<1040000xf32, #tpu.memory_space<hbm>> -> memref<11000xf32, #tpu.memory_space<hbm>>
    %dma_start3A_32 = arith.constant 0 : i32
    %dma_start3A_33 = tpu.memref_slice %arg12[%dma_start3A_32] : memref<11000xf32, #tpu.memory_space<vmem>> -> memref<11000xf32, #tpu.memory_space<vmem>>
    %dma_start3A_34 = tpu.memref_slice %arg4[%add3A_28] : memref<1040000xf32, #tpu.memory_space<hbm>> -> memref<11000xf32, #tpu.memory_space<hbm>>
    tpu.enqueue_dma source(%dma_start3A_34 : memref<11000xf32, #tpu.memory_space<hbm>>) target(%dma_start3A_33 : memref<11000xf32, #tpu.memory_space<vmem>>) target_semaphore(%arg15 : memref<!tpu.dma_semaphore, #tpu.memory_space<semaphore_mem>>)
    %dma_wait3A_35 = arith.constant 0 : i32
    %dma_wait3A_36 = tpu.memref_slice %arg12[%dma_wait3A_35] : memref<11000xf32, #tpu.memory_space<vmem>> -> memref<11000xf32, #tpu.memory_space<vmem>>
    %dma_wait3A_37 = tpu.memref_slice %arg4[%add3A_28] : memref<1040000xf32, #tpu.memory_space<hbm>> -> memref<11000xf32, #tpu.memory_space<hbm>>
    %dma_wait3A_38 = arith.constant 0 : i32
    %dma_wait3A_39 = tpu.memref_slice %arg12[%dma_wait3A_38] : memref<11000xf32, #tpu.memory_space<vmem>> -> memref<11000xf32, #tpu.memory_space<vmem>>
    %dma_wait3A_40 = tpu.memref_slice %arg4[%add3A_28] : memref<1040000xf32, #tpu.memory_space<hbm>> -> memref<11000xf32, #tpu.memory_space<hbm>>
    tpu.wait_dma2 semaphore(%arg15 : memref<!tpu.dma_semaphore, #tpu.memory_space<semaphore_mem>>) src(%dma_wait3A_40 : memref<11000xf32, #tpu.memory_space<hbm>>) dst(%dma_wait3A_39 : memref<11000xf32, #tpu.memory_space<vmem>>)
    %add3A_41 = arith.constant 11000 : i32
    %add3A_42 = arith.addi %mul3A_2, %add3A_41 : i32
    %dma_start3A_43 = arith.constant 0 : i32
    %dma_start3A_44 = tpu.memref_slice %arg12[%dma_start3A_43] : memref<11000xf32, #tpu.memory_space<vmem>> -> memref<11000xf32, #tpu.memory_space<vmem>>
    %dma_start3A_45 = tpu.memref_slice %arg13[%add3A_42] : memref<1040000xf32, #tpu.memory_space<vmem_shared>> -> memref<11000xf32, #tpu.memory_space<vmem_shared>>
    %dma_start3A_46 = tpu.memref_slice %arg13[%add3A_42] : memref<1040000xf32, #tpu.memory_space<vmem_shared>> -> memref<11000xf32, #tpu.memory_space<vmem_shared>>
    %dma_start3A_47 = arith.constant 0 : i32
    %dma_start3A_48 = tpu.memref_slice %arg12[%dma_start3A_47] : memref<11000xf32, #tpu.memory_space<vmem>> -> memref<11000xf32, #tpu.memory_space<vmem>>
    tpu.enqueue_dma source(%dma_start3A_48 : memref<11000xf32, #tpu.memory_space<vmem>>) target(%dma_start3A_46 : memref<11000xf32, #tpu.memory_space<vmem_shared>>) target_semaphore(%arg16 : memref<!tpu.dma_semaphore, #tpu.memory_space<semaphore_mem>>)
    %dma_wait3A_49 = arith.constant 0 : i32
    %dma_wait3A_50 = tpu.memref_slice %arg11[%dma_wait3A_49] : memref<11000xf32, #tpu.memory_space<vmem>> -> memref<11000xf32, #tpu.memory_space<vmem>>
    %dma_wait3A_51 = tpu.memref_slice %arg13[%add3A_20] : memref<1040000xf32, #tpu.memory_space<vmem_shared>> -> memref<11000xf32, #tpu.memory_space<vmem_shared>>
    %dma_wait3A_52 = tpu.memref_slice %arg13[%add3A_20] : memref<1040000xf32, #tpu.memory_space<vmem_shared>> -> memref<11000xf32, #tpu.memory_space<vmem_shared>>
    %dma_wait3A_53 = arith.constant 0 : i32
    %dma_wait3A_54 = tpu.memref_slice %arg11[%dma_wait3A_53] : memref<11000xf32, #tpu.memory_space<vmem>> -> memref<11000xf32, #tpu.memory_space<vmem>>
    tpu.wait_dma2 semaphore(%arg16 : memref<!tpu.dma_semaphore, #tpu.memory_space<semaphore_mem>>) src(%dma_wait3A_54 : memref<11000xf32, #tpu.memory_space<vmem>>) dst(%dma_wait3A_52 : memref<11000xf32, #tpu.memory_space<vmem_shared>>)
    %add3A_55 = arith.constant 22000 : i32
    %add3A_56 = arith.addi %mul3A_2, %add3A_55 : i32
    %dma_start3A_57 = arith.constant 0 : i32
    %dma_start3A_58 = tpu.memref_slice %arg11[%dma_start3A_57] : memref<11000xf32, #tpu.memory_space<vmem>> -> memref<11000xf32, #tpu.memory_space<vmem>>
    %dma_start3A_59 = tpu.memref_slice %arg4[%add3A_56] : memref<1040000xf32, #tpu.memory_space<hbm>> -> memref<11000xf32, #tpu.memory_space<hbm>>
    %dma_start3A_60 = arith.constant 0 : i32
    %dma_start3A_61 = tpu.memref_slice %arg11[%dma_start3A_60] : memref<11000xf32, #tpu.memory_space<vmem>> -> memref<11000xf32, #tpu.memory_space<vmem>>
    %dma_start3A_62 = tpu.memref_slice %arg4[%add3A_56] : memref<1040000xf32, #tpu.memory_space<hbm>> -> memref<11000xf32, #tpu.memory_space<hbm>>
    tpu.enqueue_dma source(%dma_start3A_62 : memref<11000xf32, #tpu.memory_space<hbm>>) target(%dma_start3A_61 : memref<11000xf32, #tpu.memory_space<vmem>>) target_semaphore(%arg15 : memref<!tpu.dma_semaphore, #tpu.memory_space<semaphore_mem>>)
    %dma_wait3A_63 = arith.constant 0 : i32
    %dma_wait3A_64 = tpu.memref_slice %arg11[%dma_wait3A_63] : memref<11000xf32, #tpu.memory_space<vmem>> -> memref<11000xf32, #tpu.memory_space<vmem>>
    %dma_wait3A_65 = tpu.memref_slice %arg4[%add3A_56] : memref<1040000xf32, #tpu.memory_space<hbm>> -> memref<11000xf32, #tpu.memory_space<hbm>>
    %dma_wait3A_66 = arith.constant 0 : i32
    %dma_wait3A_67 = tpu.memref_slice %arg11[%dma_wait3A_66] : memref<11000xf32, #tpu.memory_space<vmem>> -> memref<11000xf32, #tpu.memory_space<vmem>>
    %dma_wait3A_68 = tpu.memref_slice %arg4[%add3A_56] : memref<1040000xf32, #tpu.memory_space<hbm>> -> memref<11000xf32, #tpu.memory_space<hbm>>
    tpu.wait_dma2 semaphore(%arg15 : memref<!tpu.dma_semaphore, #tpu.memory_space<semaphore_mem>>) src(%dma_wait3A_68 : memref<11000xf32, #tpu.memory_space<hbm>>) dst(%dma_wait3A_67 : memref<11000xf32, #tpu.memory_space<vmem>>)
    %add3A_69 = arith.constant 22000 : i32
    %add3A_70 = arith.addi %mul3A_2, %add3A_69 : i32
    %dma_start3A_71 = arith.constant 0 : i32
    %dma_start3A_72 = tpu.memref_slice %arg11[%dma_start3A_71] : memref<11000xf32, #tpu.memory_space<vmem>> -> memref<11000xf32, #tpu.memory_space<vmem>>
    %dma_start3A_73 = tpu.memref_slice %arg13[%add3A_70] : memref<1040000xf32, #tpu.memory_space<vmem_shared>> -> memref<11000xf32, #tpu.memory_space<vmem_shared>>
    %dma_start3A_74 = tpu.memref_slice %arg13[%add3A_70] : memref<1040000xf32, #tpu.memory_space<vmem_shared>> -> memref<11000xf32, #tpu.memory_space<vmem_shared>>
    %dma_start3A_75 = arith.constant 0 : i32
    %dma_start3A_76 = tpu.memref_slice %arg11[%dma_start3A_75] : memref<11000xf32, #tpu.memory_space<vmem>> -> memref<11000xf32, #tpu.memory_space<vmem>>
    tpu.enqueue_dma source(%dma_start3A_76 : memref<11000xf32, #tpu.memory_space<vmem>>) target(%dma_start3A_74 : memref<11000xf32, #tpu.memory_space<vmem_shared>>) target_semaphore(%arg16 : memref<!tpu.dma_semaphore, #tpu.memory_space<semaphore_mem>>)
    %dma_wait3A_77 = arith.constant 0 : i32
    %dma_wait3A_78 = tpu.memref_slice %arg12[%dma_wait3A_77] : memref<11000xf32, #tpu.memory_space<vmem>> -> memref<11000xf32, #tpu.memory_space<vmem>>
    %dma_wait3A_79 = tpu.memref_slice %arg13[%add3A_42] : memref<1040000xf32, #tpu.memory_space<vmem_shared>> -> memref<11000xf32, #tpu.memory_space<vmem_shared>>
    %dma_wait3A_80 = tpu.memref_slice %arg13[%add3A_42] : memref<1040000xf32, #tpu.memory_space<vmem_shared>> -> memref<11000xf32, #tpu.memory_space<vmem_shared>>
    %dma_wait3A_81 = arith.constant 0 : i32
    %dma_wait3A_82 = tpu.memref_slice %arg12[%dma_wait3A_81] : memref<11000xf32, #tpu.memory_space<vmem>> -> memref<11000xf32, #tpu.memory_space<vmem>>
    tpu.wait_dma2 semaphore(%arg16 : memref<!tpu.dma_semaphore, #tpu.memory_space<semaphore_mem>>) src(%dma_wait3A_82 : memref<11000xf32, #tpu.memory_space<vmem>>) dst(%dma_wait3A_80 : memref<11000xf32, #tpu.memory_space<vmem_shared>>)
    %add3A_83 = arith.constant 33000 : i32
    %add3A_84 = arith.addi %mul3A_2, %add3A_83 : i32
    %dma_start3A_85 = arith.constant 0 : i32
    %dma_start3A_86 = tpu.memref_slice %arg12[%dma_start3A_85] : memref<11000xf32, #tpu.memory_space<vmem>> -> memref<11000xf32, #tpu.memory_space<vmem>>
    %dma_start3A_87 = tpu.memref_slice %arg4[%add3A_84] : memref<1040000xf32, #tpu.memory_space<hbm>> -> memref<11000xf32, #tpu.memory_space<hbm>>
    %dma_start3A_88 = arith.constant 0 : i32
    %dma_start3A_89 = tpu.memref_slice %arg12[%dma_start3A_88] : memref<11000xf32, #tpu.memory_space<vmem>> -> memref<11000xf32, #tpu.memory_space<vmem>>
    %dma_start3A_90 = tpu.memref_slice %arg4[%add3A_84] : memref<1040000xf32, #tpu.memory_space<hbm>> -> memref<11000xf32, #tpu.memory_space<hbm>>
    tpu.enqueue_dma source(%dma_start3A_90 : memref<11000xf32, #tpu.memory_space<hbm>>) target(%dma_start3A_89 : memref<11000xf32, #tpu.memory_space<vmem>>) target_semaphore(%arg15 : memref<!tpu.dma_semaphore, #tpu.memory_space<semaphore_mem>>)
    %dma_wait3A_91 = arith.constant 0 : i32
    %dma_wait3A_92 = tpu.memref_slice %arg12[%dma_wait3A_91] : memref<11000xf32, #tpu.memory_space<vmem>> -> memref<11000xf32, #tpu.memory_space<vmem>>
    %dma_wait3A_93 = tpu.memref_slice %arg4[%add3A_84] : memref<1040000xf32, #tpu.memory_space<hbm>> -> memref<11000xf32, #tpu.memory_space<hbm>>
    %dma_wait3A_94 = arith.constant 0 : i32
    %dma_wait3A_95 = tpu.memref_slice %arg12[%dma_wait3A_94] : memref<11000xf32, #tpu.memory_space<vmem>> -> memref<11000xf32, #tpu.memory_space<vmem>>
    %dma_wait3A_96 = tpu.memref_slice %arg4[%add3A_84] : memref<1040000xf32, #tpu.memory_space<hbm>> -> memref<11000xf32, #tpu.memory_space<hbm>>
    tpu.wait_dma2 semaphore(%arg15 : memref<!tpu.dma_semaphore, #tpu.memory_space<semaphore_mem>>) src(%dma_wait3A_96 : memref<11000xf32, #tpu.memory_space<hbm>>) dst(%dma_wait3A_95 : memref<11000xf32, #tpu.memory_space<vmem>>)
    %add3A_97 = arith.constant 33000 : i32
    %add3A_98 = arith.addi %mul3A_2, %add3A_97 : i32
    %dma_start3A_99 = arith.constant 0 : i32
    %dma_start3A_100 = tpu.memref_slice %arg12[%dma_start3A_99] : memref<11000xf32, #tpu.memory_space<vmem>> -> memref<11000xf32, #tpu.memory_space<vmem>>
    %dma_start3A_101 = tpu.memref_slice %arg13[%add3A_98] : memref<1040000xf32, #tpu.memory_space<vmem_shared>> -> memref<11000xf32, #tpu.memory_space<vmem_shared>>
    %dma_start3A_102 = tpu.memref_slice %arg13[%add3A_98] : memref<1040000xf32, #tpu.memory_space<vmem_shared>> -> memref<11000xf32, #tpu.memory_space<vmem_shared>>
    %dma_start3A_103 = arith.constant 0 : i32
    %dma_start3A_104 = tpu.memref_slice %arg12[%dma_start3A_103] : memref<11000xf32, #tpu.memory_space<vmem>> -> memref<11000xf32, #tpu.memory_space<vmem>>
    tpu.enqueue_dma source(%dma_start3A_104 : memref<11000xf32, #tpu.memory_space<vmem>>) target(%dma_start3A_102 : memref<11000xf32, #tpu.memory_space<vmem_shared>>) target_semaphore(%arg16 : memref<!tpu.dma_semaphore, #tpu.memory_space<semaphore_mem>>)
    %dma_wait3A_105 = arith.constant 0 : i32
    %dma_wait3A_106 = tpu.memref_slice %arg11[%dma_wait3A_105] : memref<11000xf32, #tpu.memory_space<vmem>> -> memref<11000xf32, #tpu.memory_space<vmem>>
    %dma_wait3A_107 = tpu.memref_slice %arg13[%add3A_70] : memref<1040000xf32, #tpu.memory_space<vmem_shared>> -> memref<11000xf32, #tpu.memory_space<vmem_shared>>
    %dma_wait3A_108 = tpu.memref_slice %arg13[%add3A_70] : memref<1040000xf32, #tpu.memory_space<vmem_shared>> -> memref<11000xf32, #tpu.memory_space<vmem_shared>>
    %dma_wait3A_109 = arith.constant 0 : i32
    %dma_wait3A_110 = tpu.memref_slice %arg11[%dma_wait3A_109] : memref<11000xf32, #tpu.memory_space<vmem>> -> memref<11000xf32, #tpu.memory_space<vmem>>
    tpu.wait_dma2 semaphore(%arg16 : memref<!tpu.dma_semaphore, #tpu.memory_space<semaphore_mem>>) src(%dma_wait3A_110 : memref<11000xf32, #tpu.memory_space<vmem>>) dst(%dma_wait3A_108 : memref<11000xf32, #tpu.memory_space<vmem_shared>>)
    %add3A_111 = arith.constant 44000 : i32
    %add3A_112 = arith.addi %mul3A_2, %add3A_111 : i32
    %dma_start3A_113 = arith.constant 0 : i32
    %dma_start3A_114 = tpu.memref_slice %arg11[%dma_start3A_113] : memref<11000xf32, #tpu.memory_space<vmem>> -> memref<11000xf32, #tpu.memory_space<vmem>>
    %dma_start3A_115 = tpu.memref_slice %arg4[%add3A_112] : memref<1040000xf32, #tpu.memory_space<hbm>> -> memref<11000xf32, #tpu.memory_space<hbm>>
    %dma_start3A_116 = arith.constant 0 : i32
    %dma_start3A_117 = tpu.memref_slice %arg11[%dma_start3A_116] : memref<11000xf32, #tpu.memory_space<vmem>> -> memref<11000xf32, #tpu.memory_space<vmem>>
    %dma_start3A_118 = tpu.memref_slice %arg4[%add3A_112] : memref<1040000xf32, #tpu.memory_space<hbm>> -> memref<11000xf32, #tpu.memory_space<hbm>>
    tpu.enqueue_dma source(%dma_start3A_118 : memref<11000xf32, #tpu.memory_space<hbm>>) target(%dma_start3A_117 : memref<11000xf32, #tpu.memory_space<vmem>>) target_semaphore(%arg15 : memref<!tpu.dma_semaphore, #tpu.memory_space<semaphore_mem>>)
    %dma_wait3A_119 = arith.constant 0 : i32
    %dma_wait3A_120 = tpu.memref_slice %arg11[%dma_wait3A_119] : memref<11000xf32, #tpu.memory_space<vmem>> -> memref<11000xf32, #tpu.memory_space<vmem>>
    %dma_wait3A_121 = tpu.memref_slice %arg4[%add3A_112] : memref<1040000xf32, #tpu.memory_space<hbm>> -> memref<11000xf32, #tpu.memory_space<hbm>>
    %dma_wait3A_122 = arith.constant 0 : i32
    %dma_wait3A_123 = tpu.memref_slice %arg11[%dma_wait3A_122] : memref<11000xf32, #tpu.memory_space<vmem>> -> memref<11000xf32, #tpu.memory_space<vmem>>
    %dma_wait3A_124 = tpu.memref_slice %arg4[%add3A_112] : memref<1040000xf32, #tpu.memory_space<hbm>> -> memref<11000xf32, #tpu.memory_space<hbm>>
    tpu.wait_dma2 semaphore(%arg15 : memref<!tpu.dma_semaphore, #tpu.memory_space<semaphore_mem>>) src(%dma_wait3A_124 : memref<11000xf32, #tpu.memory_space<hbm>>) dst(%dma_wait3A_123 : memref<11000xf32, #tpu.memory_space<vmem>>)
    %add3A_125 = arith.constant 44000 : i32
    %add3A_126 = arith.addi %mul3A_2, %add3A_125 : i32
    %dma_start3A_127 = arith.constant 0 : i32
    %dma_start3A_128 = tpu.memref_slice %arg11[%dma_start3A_127] : memref<11000xf32, #tpu.memory_space<vmem>> -> memref<11000xf32, #tpu.memory_space<vmem>>
    %dma_start3A_129 = tpu.memref_slice %arg13[%add3A_126] : memref<1040000xf32, #tpu.memory_space<vmem_shared>> -> memref<11000xf32, #tpu.memory_space<vmem_shared>>
    %dma_start3A_130 = tpu.memref_slice %arg13[%add3A_126] : memref<1040000xf32, #tpu.memory_space<vmem_shared>> -> memref<11000xf32, #tpu.memory_space<vmem_shared>>
    %dma_start3A_131 = arith.constant 0 : i32
    %dma_start3A_132 = tpu.memref_slice %arg11[%dma_start3A_131] : memref<11000xf32, #tpu.memory_space<vmem>> -> memref<11000xf32, #tpu.memory_space<vmem>>
    tpu.enqueue_dma source(%dma_start3A_132 : memref<11000xf32, #tpu.memory_space<vmem>>) target(%dma_start3A_130 : memref<11000xf32, #tpu.memory_space<vmem_shared>>) target_semaphore(%arg16 : memref<!tpu.dma_semaphore, #tpu.memory_space<semaphore_mem>>)
    %dma_wait3A_133 = arith.constant 0 : i32
    %dma_wait3A_134 = tpu.memref_slice %arg12[%dma_wait3A_133] : memref<11000xf32, #tpu.memory_space<vmem>> -> memref<11000xf32, #tpu.memory_space<vmem>>
    %dma_wait3A_135 = tpu.memref_slice %arg13[%add3A_98] : memref<1040000xf32, #tpu.memory_space<vmem_shared>> -> memref<11000xf32, #tpu.memory_space<vmem_shared>>
    %dma_wait3A_136 = tpu.memref_slice %arg13[%add3A_98] : memref<1040000xf32, #tpu.memory_space<vmem_shared>> -> memref<11000xf32, #tpu.memory_space<vmem_shared>>
    %dma_wait3A_137 = arith.constant 0 : i32
    %dma_wait3A_138 = tpu.memref_slice %arg12[%dma_wait3A_137] : memref<11000xf32, #tpu.memory_space<vmem>> -> memref<11000xf32, #tpu.memory_space<vmem>>
    tpu.wait_dma2 semaphore(%arg16 : memref<!tpu.dma_semaphore, #tpu.memory_space<semaphore_mem>>) src(%dma_wait3A_138 : memref<11000xf32, #tpu.memory_space<vmem>>) dst(%dma_wait3A_136 : memref<11000xf32, #tpu.memory_space<vmem_shared>>)
    %add3A_139 = arith.constant 55000 : i32
    %add3A_140 = arith.addi %mul3A_2, %add3A_139 : i32
    %dma_start3A_141 = arith.constant 0 : i32
    %dma_start3A_142 = tpu.memref_slice %arg12[%dma_start3A_141] : memref<11000xf32, #tpu.memory_space<vmem>> -> memref<10000xf32, #tpu.memory_space<vmem>>
    %dma_start3A_143 = tpu.memref_slice %arg4[%add3A_140] : memref<1040000xf32, #tpu.memory_space<hbm>> -> memref<10000xf32, #tpu.memory_space<hbm>>
    %dma_start3A_144 = arith.constant 0 : i32
    %dma_start3A_145 = tpu.memref_slice %arg12[%dma_start3A_144] : memref<11000xf32, #tpu.memory_space<vmem>> -> memref<10000xf32, #tpu.memory_space<vmem>>
    %dma_start3A_146 = tpu.memref_slice %arg4[%add3A_140] : memref<1040000xf32, #tpu.memory_space<hbm>> -> memref<10000xf32, #tpu.memory_space<hbm>>
    tpu.enqueue_dma source(%dma_start3A_146 : memref<10000xf32, #tpu.memory_space<hbm>>) target(%dma_start3A_145 : memref<10000xf32, #tpu.memory_space<vmem>>) target_semaphore(%arg15 : memref<!tpu.dma_semaphore, #tpu.memory_space<semaphore_mem>>)
    %dma_wait3A_147 = arith.constant 0 : i32
    %dma_wait3A_148 = tpu.memref_slice %arg12[%dma_wait3A_147] : memref<11000xf32, #tpu.memory_space<vmem>> -> memref<10000xf32, #tpu.memory_space<vmem>>
    %dma_wait3A_149 = tpu.memref_slice %arg4[%add3A_140] : memref<1040000xf32, #tpu.memory_space<hbm>> -> memref<10000xf32, #tpu.memory_space<hbm>>
    %dma_wait3A_150 = arith.constant 0 : i32
    %dma_wait3A_151 = tpu.memref_slice %arg12[%dma_wait3A_150] : memref<11000xf32, #tpu.memory_space<vmem>> -> memref<10000xf32, #tpu.memory_space<vmem>>
    %dma_wait3A_152 = tpu.memref_slice %arg4[%add3A_140] : memref<1040000xf32, #tpu.memory_space<hbm>> -> memref<10000xf32, #tpu.memory_space<hbm>>
    tpu.wait_dma2 semaphore(%arg15 : memref<!tpu.dma_semaphore, #tpu.memory_space<semaphore_mem>>) src(%dma_wait3A_152 : memref<10000xf32, #tpu.memory_space<hbm>>) dst(%dma_wait3A_151 : memref<10000xf32, #tpu.memory_space<vmem>>)
    %add3A_153 = arith.constant 55000 : i32
    %add3A_154 = arith.addi %mul3A_2, %add3A_153 : i32
    %dma_start3A_155 = arith.constant 0 : i32
    %dma_start3A_156 = tpu.memref_slice %arg12[%dma_start3A_155] : memref<11000xf32, #tpu.memory_space<vmem>> -> memref<10000xf32, #tpu.memory_space<vmem>>
    %dma_start3A_157 = tpu.memref_slice %arg13[%add3A_154] : memref<1040000xf32, #tpu.memory_space<vmem_shared>> -> memref<10000xf32, #tpu.memory_space<vmem_shared>>
    %dma_start3A_158 = tpu.memref_slice %arg13[%add3A_154] : memref<1040000xf32, #tpu.memory_space<vmem_shared>> -> memref<10000xf32, #tpu.memory_space<vmem_shared>>
    %dma_start3A_159 = arith.constant 0 : i32
    %dma_start3A_160 = tpu.memref_slice %arg12[%dma_start3A_159] : memref<11000xf32, #tpu.memory_space<vmem>> -> memref<10000xf32, #tpu.memory_space<vmem>>
    tpu.enqueue_dma source(%dma_start3A_160 : memref<10000xf32, #tpu.memory_space<vmem>>) target(%dma_start3A_158 : memref<10000xf32, #tpu.memory_space<vmem_shared>>) target_semaphore(%arg16 : memref<!tpu.dma_semaphore, #tpu.memory_space<semaphore_mem>>)
    %dma_wait3A_161 = arith.constant 0 : i32
    %dma_wait3A_162 = tpu.memref_slice %arg2[%dma_wait3A_161, %mul3A_9] : memref<26x16384xi32, #tpu.memory_space<hbm>> -> memref<26x512xi32, #tpu.memory_space<hbm>>
    %dma_wait3A_163 = arith.constant 0 : i32
    %dma_wait3A_164 = tpu.memref_slice %arg2[%dma_wait3A_163, %mul3A_9] : memref<26x16384xi32, #tpu.memory_space<hbm>> -> memref<26x512xi32, #tpu.memory_space<hbm>>
    tpu.wait_dma2 semaphore(%arg14 : memref<!tpu.dma_semaphore, #tpu.memory_space<semaphore_mem>>) src(%dma_wait3A_164 : memref<26x512xi32, #tpu.memory_space<hbm>>) dst(%arg6 : memref<26x512xi32, #tpu.memory_space<vmem>>)
    %scan3A = arith.constant 0 : i32
    %scan3A_165 = arith.constant 0 : i32
    %scan3A_166 = arith.constant 32 : i32
    %scan3A_167 = arith.addi %scan3A_165, %scan3A_166 : i32
    %scan3A_168 = arith.constant 1 : i32
    scf.for %scan3A_221 = %scan3A_165 to %scan3A_167 step %scan3A_168  : i32 {
      %mul3A_222 = arith.constant 16 : i32
      %mul3A_223 = arith.muli %scan3A_221, %mul3A_222 : i32
      %get3A_224 = arith.constant 0 : i32
      %get3A_225 = arith.index_cast %get3A_224 : i32 to index
      %get3A_226 = arith.index_cast %mul3A_223 : i32 to index
      %get3A_227 = tpu.vector_load %arg6[%get3A_225, %get3A_226] {strides = array<i32>} : memref<26x512xi32, #tpu.memory_space<vmem>>, vector<16xi32>,
      %add3A_228 = arith.constant 0 : i32
      %add3A_229 = vector.broadcast %add3A_228 : i32 to vector<16xi32>
      %add3A_230 = arith.addi %get3A_227, %add3A_229 : vector<16xi32>
      %add3A_231 = arith.constant 0 : i32
      %add3A_232 = arith.addi %add3A_231, %mul3A_223 : i32
      %swap3A = arith.index_cast %add3A_232 : i32 to index
      %swap3A_233 = tpu.vector_load %arg7[%swap3A] {strides = array<i32>} : memref<13312xi32, #tpu.memory_space<vmem>>, vector<16xi32>,
      tpu.vector_store %arg7[%swap3A], %add3A_230 {strides = array<i32>} : memref<13312xi32, #tpu.memory_space<vmem>>, vector<16xi32>,
      %get3A_234 = arith.constant 1 : i32
      %get3A_235 = arith.index_cast %get3A_234 : i32 to index
      %get3A_236 = arith.index_cast %mul3A_223 : i32 to index
      %get3A_237 = tpu.vector_load %arg6[%get3A_235, %get3A_236] {strides = array<i32>} : memref<26x512xi32, #tpu.memory_space<vmem>>, vector<16xi32>,
      %add3A_238 = arith.constant 40000 : i32
      %add3A_239 = vector.broadcast %add3A_238 : i32 to vector<16xi32>
      %add3A_240 = arith.addi %get3A_237, %add3A_239 : vector<16xi32>
      %add3A_241 = arith.constant 512 : i32
      %add3A_242 = arith.addi %add3A_241, %mul3A_223 : i32
      %swap3A_243 = arith.index_cast %add3A_242 : i32 to index
      %swap3A_244 = tpu.vector_load %arg7[%swap3A_243] {strides = array<i32>} : memref<13312xi32, #tpu.memory_space<vmem>>, vector<16xi32>,
      tpu.vector_store %arg7[%swap3A_243], %add3A_240 {strides = array<i32>} : memref<13312xi32, #tpu.memory_space<vmem>>, vector<16xi32>,
      %get3A_245 = arith.constant 2 : i32
      %get3A_246 = arith.index_cast %get3A_245 : i32 to index
      %get3A_247 = arith.index_cast %mul3A_223 : i32 to index
      %get3A_248 = tpu.vector_load %arg6[%get3A_246, %get3A_247] {strides = array<i32>} : memref<26x512xi32, #tpu.memory_space<vmem>>, vector<16xi32>,
      %add3A_249 = arith.constant 80000 : i32
      %add3A_250 = vector.broadcast %add3A_249 : i32 to vector<16xi32>
      %add3A_251 = arith.addi %get3A_248, %add3A_250 : vector<16xi32>
      %add3A_252 = arith.constant 1024 : i32
      %add3A_253 = arith.addi %add3A_252, %mul3A_223 : i32
      %swap3A_254 = arith.index_cast %add3A_253 : i32 to index
      %swap3A_255 = tpu.vector_load %arg7[%swap3A_254] {strides = array<i32>} : memref<13312xi32, #tpu.memory_space<vmem>>, vector<16xi32>,
      tpu.vector_store %arg7[%swap3A_254], %add3A_251 {strides = array<i32>} : memref<13312xi32, #tpu.memory_space<vmem>>, vector<16xi32>,
      %get3A_256 = arith.constant 3 : i32
      %get3A_257 = arith.index_cast %get3A_256 : i32 to index
      %get3A_258 = arith.index_cast %mul3A_223 : i32 to index
      %get3A_259 = tpu.vector_load %arg6[%get3A_257, %get3A_258] {strides = array<i32>} : memref<26x512xi32, #tpu.memory_space<vmem>>, vector<16xi32>,
      %add3A_260 = arith.constant 120000 : i32
      %add3A_261 = vector.broadcast %add3A_260 : i32 to vector<16xi32>
      %add3A_262 = arith.addi %get3A_259, %add3A_261 : vector<16xi32>
      %add3A_263 = arith.constant 1536 : i32
      %add3A_264 = arith.addi %add3A_263, %mul3A_223 : i32
      %swap3A_265 = arith.index_cast %add3A_264 : i32 to index
      %swap3A_266 = tpu.vector_load %arg7[%swap3A_265] {strides = array<i32>} : memref<13312xi32, #tpu.memory_space<vmem>>, vector<16xi32>,
      tpu.vector_store %arg7[%swap3A_265], %add3A_262 {strides = array<i32>} : memref<13312xi32, #tpu.memory_space<vmem>>, vector<16xi32>,
      %get3A_267 = arith.constant 4 : i32
      %get3A_268 = arith.index_cast %get3A_267 : i32 to index
      %get3A_269 = arith.index_cast %mul3A_223 : i32 to index
      %get3A_270 = tpu.vector_load %arg6[%get3A_268, %get3A_269] {strides = array<i32>} : memref<26x512xi32, #tpu.memory_space<vmem>>, vector<16xi32>,
      %add3A_271 = arith.constant 160000 : i32
      %add3A_272 = vector.broadcast %add3A_271 : i32 to vector<16xi32>
      %add3A_273 = arith.addi %get3A_270, %add3A_272 : vector<16xi32>
      %add3A_274 = arith.constant 2048 : i32
      %add3A_275 = arith.addi %add3A_274, %mul3A_223 : i32
      %swap3A_276 = arith.index_cast %add3A_275 : i32 to index
      %swap3A_277 = tpu.vector_load %arg7[%swap3A_276] {strides = array<i32>} : memref<13312xi32, #tpu.memory_space<vmem>>, vector<16xi32>,
      tpu.vector_store %arg7[%swap3A_276], %add3A_273 {strides = array<i32>} : memref<13312xi32, #tpu.memory_space<vmem>>, vector<16xi32>,
      %get3A_278 = arith.constant 5 : i32
      %get3A_279 = arith.index_cast %get3A_278 : i32 to index
      %get3A_280 = arith.index_cast %mul3A_223 : i32 to index
      %get3A_281 = tpu.vector_load %arg6[%get3A_279, %get3A_280] {strides = array<i32>} : memref<26x512xi32, #tpu.memory_space<vmem>>, vector<16xi32>,
      %add3A_282 = arith.constant 200000 : i32
      %add3A_283 = vector.broadcast %add3A_282 : i32 to vector<16xi32>
      %add3A_284 = arith.addi %get3A_281, %add3A_283 : vector<16xi32>
      %add3A_285 = arith.constant 2560 : i32
      %add3A_286 = arith.addi %add3A_285, %mul3A_223 : i32
      %swap3A_287 = arith.index_cast %add3A_286 : i32 to index
      %swap3A_288 = tpu.vector_load %arg7[%swap3A_287] {strides = array<i32>} : memref<13312xi32, #tpu.memory_space<vmem>>, vector<16xi32>,
      tpu.vector_store %arg7[%swap3A_287], %add3A_284 {strides = array<i32>} : memref<13312xi32, #tpu.memory_space<vmem>>, vector<16xi32>,
      %get3A_289 = arith.constant 6 : i32
      %get3A_290 = arith.index_cast %get3A_289 : i32 to index
      %get3A_291 = arith.index_cast %mul3A_223 : i32 to index
      %get3A_292 = tpu.vector_load %arg6[%get3A_290, %get3A_291] {strides = array<i32>} : memref<26x512xi32, #tpu.memory_space<vmem>>, vector<16xi32>,
      %add3A_293 = arith.constant 240000 : i32
      %add3A_294 = vector.broadcast %add3A_293 : i32 to vector<16xi32>
      %add3A_295 = arith.addi %get3A_292, %add3A_294 : vector<16xi32>
      %add3A_296 = arith.constant 3072 : i32
      %add3A_297 = arith.addi %add3A_296, %mul3A_223 : i32
      %swap3A_298 = arith.index_cast %add3A_297 : i32 to index
      %swap3A_299 = tpu.vector_load %arg7[%swap3A_298] {strides = array<i32>} : memref<13312xi32, #tpu.memory_space<vmem>>, vector<16xi32>,
      tpu.vector_store %arg7[%swap3A_298], %add3A_295 {strides = array<i32>} : memref<13312xi32, #tpu.memory_space<vmem>>, vector<16xi32>,
      %get3A_300 = arith.constant 7 : i32
      %get3A_301 = arith.index_cast %get3A_300 : i32 to index
      %get3A_302 = arith.index_cast %mul3A_223 : i32 to index
      %get3A_303 = tpu.vector_load %arg6[%get3A_301, %get3A_302] {strides = array<i32>} : memref<26x512xi32, #tpu.memory_space<vmem>>, vector<16xi32>,
      %add3A_304 = arith.constant 280000 : i32
      %add3A_305 = vector.broadcast %add3A_304 : i32 to vector<16xi32>
      %add3A_306 = arith.addi %get3A_303, %add3A_305 : vector<16xi32>
      %add3A_307 = arith.constant 3584 : i32
      %add3A_308 = arith.addi %add3A_307, %mul3A_223 : i32
      %swap3A_309 = arith.index_cast %add3A_308 : i32 to index
      %swap3A_310 = tpu.vector_load %arg7[%swap3A_309] {strides = array<i32>} : memref<13312xi32, #tpu.memory_space<vmem>>, vector<16xi32>,
      tpu.vector_store %arg7[%swap3A_309], %add3A_306 {strides = array<i32>} : memref<13312xi32, #tpu.memory_space<vmem>>, vector<16xi32>,
      %get3A_311 = arith.constant 8 : i32
      %get3A_312 = arith.index_cast %get3A_311 : i32 to index
      %get3A_313 = arith.index_cast %mul3A_223 : i32 to index
      %get3A_314 = tpu.vector_load %arg6[%get3A_312, %get3A_313] {strides = array<i32>} : memref<26x512xi32, #tpu.memory_space<vmem>>, vector<16xi32>,
      %add3A_315 = arith.constant 320000 : i32
      %add3A_316 = vector.broadcast %add3A_315 : i32 to vector<16xi32>
      %add3A_317 = arith.addi %get3A_314, %add3A_316 : vector<16xi32>
      %add3A_318 = arith.constant 4096 : i32
      %add3A_319 = arith.addi %add3A_318, %mul3A_223 : i32
      %swap3A_320 = arith.index_cast %add3A_319 : i32 to index
      %swap3A_321 = tpu.vector_load %arg7[%swap3A_320] {strides = array<i32>} : memref<13312xi32, #tpu.memory_space<vmem>>, vector<16xi32>,
      tpu.vector_store %arg7[%swap3A_320], %add3A_317 {strides = array<i32>} : memref<13312xi32, #tpu.memory_space<vmem>>, vector<16xi32>,
      %get3A_322 = arith.constant 9 : i32
      %get3A_323 = arith.index_cast %get3A_322 : i32 to index
      %get3A_324 = arith.index_cast %mul3A_223 : i32 to index
      %get3A_325 = tpu.vector_load %arg6[%get3A_323, %get3A_324] {strides = array<i32>} : memref<26x512xi32, #tpu.memory_space<vmem>>, vector<16xi32>,
      %add3A_326 = arith.constant 360000 : i32
      %add3A_327 = vector.broadcast %add3A_326 : i32 to vector<16xi32>
      %add3A_328 = arith.addi %get3A_325, %add3A_327 : vector<16xi32>
      %add3A_329 = arith.constant 4608 : i32
      %add3A_330 = arith.addi %add3A_329, %mul3A_223 : i32
      %swap3A_331 = arith.index_cast %add3A_330 : i32 to index
      %swap3A_332 = tpu.vector_load %arg7[%swap3A_331] {strides = array<i32>} : memref<13312xi32, #tpu.memory_space<vmem>>, vector<16xi32>,
      tpu.vector_store %arg7[%swap3A_331], %add3A_328 {strides = array<i32>} : memref<13312xi32, #tpu.memory_space<vmem>>, vector<16xi32>,
      %get3A_333 = arith.constant 10 : i32
      %get3A_334 = arith.index_cast %get3A_333 : i32 to index
      %get3A_335 = arith.index_cast %mul3A_223 : i32 to index
      %get3A_336 = tpu.vector_load %arg6[%get3A_334, %get3A_335] {strides = array<i32>} : memref<26x512xi32, #tpu.memory_space<vmem>>, vector<16xi32>,
      %add3A_337 = arith.constant 400000 : i32
      %add3A_338 = vector.broadcast %add3A_337 : i32 to vector<16xi32>
      %add3A_339 = arith.addi %get3A_336, %add3A_338 : vector<16xi32>
      %add3A_340 = arith.constant 5120 : i32
      %add3A_341 = arith.addi %add3A_340, %mul3A_223 : i32
      %swap3A_342 = arith.index_cast %add3A_341 : i32 to index
      %swap3A_343 = tpu.vector_load %arg7[%swap3A_342] {strides = array<i32>} : memref<13312xi32, #tpu.memory_space<vmem>>, vector<16xi32>,
      tpu.vector_store %arg7[%swap3A_342], %add3A_339 {strides = array<i32>} : memref<13312xi32, #tpu.memory_space<vmem>>, vector<16xi32>,
      %get3A_344 = arith.constant 11 : i32
      %get3A_345 = arith.index_cast %get3A_344 : i32 to index
      %get3A_346 = arith.index_cast %mul3A_223 : i32 to index
      %get3A_347 = tpu.vector_load %arg6[%get3A_345, %get3A_346] {strides = array<i32>} : memref<26x512xi32, #tpu.memory_space<vmem>>, vector<16xi32>,
      %add3A_348 = arith.constant 440000 : i32
      %add3A_349 = vector.broadcast %add3A_348 : i32 to vector<16xi32>
      %add3A_350 = arith.addi %get3A_347, %add3A_349 : vector<16xi32>
      %add3A_351 = arith.constant 5632 : i32
      %add3A_352 = arith.addi %add3A_351, %mul3A_223 : i32
      %swap3A_353 = arith.index_cast %add3A_352 : i32 to index
      %swap3A_354 = tpu.vector_load %arg7[%swap3A_353] {strides = array<i32>} : memref<13312xi32, #tpu.memory_space<vmem>>, vector<16xi32>,
      tpu.vector_store %arg7[%swap3A_353], %add3A_350 {strides = array<i32>} : memref<13312xi32, #tpu.memory_space<vmem>>, vector<16xi32>,
      %get3A_355 = arith.constant 12 : i32
      %get3A_356 = arith.index_cast %get3A_355 : i32 to index
      %get3A_357 = arith.index_cast %mul3A_223 : i32 to index
      %get3A_358 = tpu.vector_load %arg6[%get3A_356, %get3A_357] {strides = array<i32>} : memref<26x512xi32, #tpu.memory_space<vmem>>, vector<16xi32>,
      %add3A_359 = arith.constant 480000 : i32
      %add3A_360 = vector.broadcast %add3A_359 : i32 to vector<16xi32>
      %add3A_361 = arith.addi %get3A_358, %add3A_360 : vector<16xi32>
      %add3A_362 = arith.constant 6144 : i32
      %add3A_363 = arith.addi %add3A_362, %mul3A_223 : i32
      %swap3A_364 = arith.index_cast %add3A_363 : i32 to index
      %swap3A_365 = tpu.vector_load %arg7[%swap3A_364] {strides = array<i32>} : memref<13312xi32, #tpu.memory_space<vmem>>, vector<16xi32>,
      tpu.vector_store %arg7[%swap3A_364], %add3A_361 {strides = array<i32>} : memref<13312xi32, #tpu.memory_space<vmem>>, vector<16xi32>,
      %get3A_366 = arith.constant 13 : i32
      %get3A_367 = arith.index_cast %get3A_366 : i32 to index
      %get3A_368 = arith.index_cast %mul3A_223 : i32 to index
      %get3A_369 = tpu.vector_load %arg6[%get3A_367, %get3A_368] {strides = array<i32>} : memref<26x512xi32, #tpu.memory_space<vmem>>, vector<16xi32>,
      %add3A_370 = arith.constant 520000 : i32
      %add3A_371 = vector.broadcast %add3A_370 : i32 to vector<16xi32>
      %add3A_372 = arith.addi %get3A_369, %add3A_371 : vector<16xi32>
      %add3A_373 = arith.constant 6656 : i32
      %add3A_374 = arith.addi %add3A_373, %mul3A_223 : i32
      %swap3A_375 = arith.index_cast %add3A_374 : i32 to index
      %swap3A_376 = tpu.vector_load %arg7[%swap3A_375] {strides = array<i32>} : memref<13312xi32, #tpu.memory_space<vmem>>, vector<16xi32>,
      tpu.vector_store %arg7[%swap3A_375], %add3A_372 {strides = array<i32>} : memref<13312xi32, #tpu.memory_space<vmem>>, vector<16xi32>,
      %get3A_377 = arith.constant 14 : i32
      %get3A_378 = arith.index_cast %get3A_377 : i32 to index
      %get3A_379 = arith.index_cast %mul3A_223 : i32 to index
      %get3A_380 = tpu.vector_load %arg6[%get3A_378, %get3A_379] {strides = array<i32>} : memref<26x512xi32, #tpu.memory_space<vmem>>, vector<16xi32>,
      %add3A_381 = arith.constant 560000 : i32
      %add3A_382 = vector.broadcast %add3A_381 : i32 to vector<16xi32>
      %add3A_383 = arith.addi %get3A_380, %add3A_382 : vector<16xi32>
      %add3A_384 = arith.constant 7168 : i32
      %add3A_385 = arith.addi %add3A_384, %mul3A_223 : i32
      %swap3A_386 = arith.index_cast %add3A_385 : i32 to index
      %swap3A_387 = tpu.vector_load %arg7[%swap3A_386] {strides = array<i32>} : memref<13312xi32, #tpu.memory_space<vmem>>, vector<16xi32>,
      tpu.vector_store %arg7[%swap3A_386], %add3A_383 {strides = array<i32>} : memref<13312xi32, #tpu.memory_space<vmem>>, vector<16xi32>,
      %get3A_388 = arith.constant 15 : i32
      %get3A_389 = arith.index_cast %get3A_388 : i32 to index
      %get3A_390 = arith.index_cast %mul3A_223 : i32 to index
      %get3A_391 = tpu.vector_load %arg6[%get3A_389, %get3A_390] {strides = array<i32>} : memref<26x512xi32, #tpu.memory_space<vmem>>, vector<16xi32>,
      %add3A_392 = arith.constant 600000 : i32
      %add3A_393 = vector.broadcast %add3A_392 : i32 to vector<16xi32>
      %add3A_394 = arith.addi %get3A_391, %add3A_393 : vector<16xi32>
      %add3A_395 = arith.constant 7680 : i32
      %add3A_396 = arith.addi %add3A_395, %mul3A_223 : i32
      %swap3A_397 = arith.index_cast %add3A_396 : i32 to index
      %swap3A_398 = tpu.vector_load %arg7[%swap3A_397] {strides = array<i32>} : memref<13312xi32, #tpu.memory_space<vmem>>, vector<16xi32>,
      tpu.vector_store %arg7[%swap3A_397], %add3A_394 {strides = array<i32>} : memref<13312xi32, #tpu.memory_space<vmem>>, vector<16xi32>,
      %get3A_399 = arith.constant 16 : i32
      %get3A_400 = arith.index_cast %get3A_399 : i32 to index
      %get3A_401 = arith.index_cast %mul3A_223 : i32 to index
      %get3A_402 = tpu.vector_load %arg6[%get3A_400, %get3A_401] {strides = array<i32>} : memref<26x512xi32, #tpu.memory_space<vmem>>, vector<16xi32>,
      %add3A_403 = arith.constant 640000 : i32
      %add3A_404 = vector.broadcast %add3A_403 : i32 to vector<16xi32>
      %add3A_405 = arith.addi %get3A_402, %add3A_404 : vector<16xi32>
      %add3A_406 = arith.constant 8192 : i32
      %add3A_407 = arith.addi %add3A_406, %mul3A_223 : i32
      %swap3A_408 = arith.index_cast %add3A_407 : i32 to index
      %swap3A_409 = tpu.vector_load %arg7[%swap3A_408] {strides = array<i32>} : memref<13312xi32, #tpu.memory_space<vmem>>, vector<16xi32>,
      tpu.vector_store %arg7[%swap3A_408], %add3A_405 {strides = array<i32>} : memref<13312xi32, #tpu.memory_space<vmem>>, vector<16xi32>,
      %get3A_410 = arith.constant 17 : i32
      %get3A_411 = arith.index_cast %get3A_410 : i32 to index
      %get3A_412 = arith.index_cast %mul3A_223 : i32 to index
      %get3A_413 = tpu.vector_load %arg6[%get3A_411, %get3A_412] {strides = array<i32>} : memref<26x512xi32, #tpu.memory_space<vmem>>, vector<16xi32>,
      %add3A_414 = arith.constant 680000 : i32
      %add3A_415 = vector.broadcast %add3A_414 : i32 to vector<16xi32>
      %add3A_416 = arith.addi %get3A_413, %add3A_415 : vector<16xi32>
      %add3A_417 = arith.constant 8704 : i32
      %add3A_418 = arith.addi %add3A_417, %mul3A_223 : i32
      %swap3A_419 = arith.index_cast %add3A_418 : i32 to index
      %swap3A_420 = tpu.vector_load %arg7[%swap3A_419] {strides = array<i32>} : memref<13312xi32, #tpu.memory_space<vmem>>, vector<16xi32>,
      tpu.vector_store %arg7[%swap3A_419], %add3A_416 {strides = array<i32>} : memref<13312xi32, #tpu.memory_space<vmem>>, vector<16xi32>,
      %get3A_421 = arith.constant 18 : i32
      %get3A_422 = arith.index_cast %get3A_421 : i32 to index
      %get3A_423 = arith.index_cast %mul3A_223 : i32 to index
      %get3A_424 = tpu.vector_load %arg6[%get3A_422, %get3A_423] {strides = array<i32>} : memref<26x512xi32, #tpu.memory_space<vmem>>, vector<16xi32>,
      %add3A_425 = arith.constant 720000 : i32
      %add3A_426 = vector.broadcast %add3A_425 : i32 to vector<16xi32>
      %add3A_427 = arith.addi %get3A_424, %add3A_426 : vector<16xi32>
      %add3A_428 = arith.constant 9216 : i32
      %add3A_429 = arith.addi %add3A_428, %mul3A_223 : i32
      %swap3A_430 = arith.index_cast %add3A_429 : i32 to index
      %swap3A_431 = tpu.vector_load %arg7[%swap3A_430] {strides = array<i32>} : memref<13312xi32, #tpu.memory_space<vmem>>, vector<16xi32>,
      tpu.vector_store %arg7[%swap3A_430], %add3A_427 {strides = array<i32>} : memref<13312xi32, #tpu.memory_space<vmem>>, vector<16xi32>,
      %get3A_432 = arith.constant 19 : i32
      %get3A_433 = arith.index_cast %get3A_432 : i32 to index
      %get3A_434 = arith.index_cast %mul3A_223 : i32 to index
      %get3A_435 = tpu.vector_load %arg6[%get3A_433, %get3A_434] {strides = array<i32>} : memref<26x512xi32, #tpu.memory_space<vmem>>, vector<16xi32>,
      %add3A_436 = arith.constant 760000 : i32
      %add3A_437 = vector.broadcast %add3A_436 : i32 to vector<16xi32>
      %add3A_438 = arith.addi %get3A_435, %add3A_437 : vector<16xi32>
      %add3A_439 = arith.constant 9728 : i32
      %add3A_440 = arith.addi %add3A_439, %mul3A_223 : i32
      %swap3A_441 = arith.index_cast %add3A_440 : i32 to index
      %swap3A_442 = tpu.vector_load %arg7[%swap3A_441] {strides = array<i32>} : memref<13312xi32, #tpu.memory_space<vmem>>, vector<16xi32>,
      tpu.vector_store %arg7[%swap3A_441], %add3A_438 {strides = array<i32>} : memref<13312xi32, #tpu.memory_space<vmem>>, vector<16xi32>,
      %get3A_443 = arith.constant 20 : i32
      %get3A_444 = arith.index_cast %get3A_443 : i32 to index
      %get3A_445 = arith.index_cast %mul3A_223 : i32 to index
      %get3A_446 = tpu.vector_load %arg6[%get3A_444, %get3A_445] {strides = array<i32>} : memref<26x512xi32, #tpu.memory_space<vmem>>, vector<16xi32>,
      %add3A_447 = arith.constant 800000 : i32
      %add3A_448 = vector.broadcast %add3A_447 : i32 to vector<16xi32>
      %add3A_449 = arith.addi %get3A_446, %add3A_448 : vector<16xi32>
      %add3A_450 = arith.constant 10240 : i32
      %add3A_451 = arith.addi %add3A_450, %mul3A_223 : i32
      %swap3A_452 = arith.index_cast %add3A_451 : i32 to index
      %swap3A_453 = tpu.vector_load %arg7[%swap3A_452] {strides = array<i32>} : memref<13312xi32, #tpu.memory_space<vmem>>, vector<16xi32>,
      tpu.vector_store %arg7[%swap3A_452], %add3A_449 {strides = array<i32>} : memref<13312xi32, #tpu.memory_space<vmem>>, vector<16xi32>,
      %get3A_454 = arith.constant 21 : i32
      %get3A_455 = arith.index_cast %get3A_454 : i32 to index
      %get3A_456 = arith.index_cast %mul3A_223 : i32 to index
      %get3A_457 = tpu.vector_load %arg6[%get3A_455, %get3A_456] {strides = array<i32>} : memref<26x512xi32, #tpu.memory_space<vmem>>, vector<16xi32>,
      %add3A_458 = arith.constant 840000 : i32
      %add3A_459 = vector.broadcast %add3A_458 : i32 to vector<16xi32>
      %add3A_460 = arith.addi %get3A_457, %add3A_459 : vector<16xi32>
      %add3A_461 = arith.constant 10752 : i32
      %add3A_462 = arith.addi %add3A_461, %mul3A_223 : i32
      %swap3A_463 = arith.index_cast %add3A_462 : i32 to index
      %swap3A_464 = tpu.vector_load %arg7[%swap3A_463] {strides = array<i32>} : memref<13312xi32, #tpu.memory_space<vmem>>, vector<16xi32>,
      tpu.vector_store %arg7[%swap3A_463], %add3A_460 {strides = array<i32>} : memref<13312xi32, #tpu.memory_space<vmem>>, vector<16xi32>,
      %get3A_465 = arith.constant 22 : i32
      %get3A_466 = arith.index_cast %get3A_465 : i32 to index
      %get3A_467 = arith.index_cast %mul3A_223 : i32 to index
      %get3A_468 = tpu.vector_load %arg6[%get3A_466, %get3A_467] {strides = array<i32>} : memref<26x512xi32, #tpu.memory_space<vmem>>, vector<16xi32>,
      %add3A_469 = arith.constant 880000 : i32
      %add3A_470 = vector.broadcast %add3A_469 : i32 to vector<16xi32>
      %add3A_471 = arith.addi %get3A_468, %add3A_470 : vector<16xi32>
      %add3A_472 = arith.constant 11264 : i32
      %add3A_473 = arith.addi %add3A_472, %mul3A_223 : i32
      %swap3A_474 = arith.index_cast %add3A_473 : i32 to index
      %swap3A_475 = tpu.vector_load %arg7[%swap3A_474] {strides = array<i32>} : memref<13312xi32, #tpu.memory_space<vmem>>, vector<16xi32>,
      tpu.vector_store %arg7[%swap3A_474], %add3A_471 {strides = array<i32>} : memref<13312xi32, #tpu.memory_space<vmem>>, vector<16xi32>,
      %get3A_476 = arith.constant 23 : i32
      %get3A_477 = arith.index_cast %get3A_476 : i32 to index
      %get3A_478 = arith.index_cast %mul3A_223 : i32 to index
      %get3A_479 = tpu.vector_load %arg6[%get3A_477, %get3A_478] {strides = array<i32>} : memref<26x512xi32, #tpu.memory_space<vmem>>, vector<16xi32>,
      %add3A_480 = arith.constant 920000 : i32
      %add3A_481 = vector.broadcast %add3A_480 : i32 to vector<16xi32>
      %add3A_482 = arith.addi %get3A_479, %add3A_481 : vector<16xi32>
      %add3A_483 = arith.constant 11776 : i32
      %add3A_484 = arith.addi %add3A_483, %mul3A_223 : i32
      %swap3A_485 = arith.index_cast %add3A_484 : i32 to index
      %swap3A_486 = tpu.vector_load %arg7[%swap3A_485] {strides = array<i32>} : memref<13312xi32, #tpu.memory_space<vmem>>, vector<16xi32>,
      tpu.vector_store %arg7[%swap3A_485], %add3A_482 {strides = array<i32>} : memref<13312xi32, #tpu.memory_space<vmem>>, vector<16xi32>,
      %get3A_487 = arith.constant 24 : i32
      %get3A_488 = arith.index_cast %get3A_487 : i32 to index
      %get3A_489 = arith.index_cast %mul3A_223 : i32 to index
      %get3A_490 = tpu.vector_load %arg6[%get3A_488, %get3A_489] {strides = array<i32>} : memref<26x512xi32, #tpu.memory_space<vmem>>, vector<16xi32>,
      %add3A_491 = arith.constant 960000 : i32
      %add3A_492 = vector.broadcast %add3A_491 : i32 to vector<16xi32>
      %add3A_493 = arith.addi %get3A_490, %add3A_492 : vector<16xi32>
      %add3A_494 = arith.constant 12288 : i32
      %add3A_495 = arith.addi %add3A_494, %mul3A_223 : i32
      %swap3A_496 = arith.index_cast %add3A_495 : i32 to index
      %swap3A_497 = tpu.vector_load %arg7[%swap3A_496] {strides = array<i32>} : memref<13312xi32, #tpu.memory_space<vmem>>, vector<16xi32>,
      tpu.vector_store %arg7[%swap3A_496], %add3A_493 {strides = array<i32>} : memref<13312xi32, #tpu.memory_space<vmem>>, vector<16xi32>,
      %get3A_498 = arith.constant 25 : i32
      %get3A_499 = arith.index_cast %get3A_498 : i32 to index
      %get3A_500 = arith.index_cast %mul3A_223 : i32 to index
      %get3A_501 = tpu.vector_load %arg6[%get3A_499, %get3A_500] {strides = array<i32>} : memref<26x512xi32, #tpu.memory_space<vmem>>, vector<16xi32>,
      %add3A_502 = arith.constant 1000000 : i32
      %add3A_503 = vector.broadcast %add3A_502 : i32 to vector<16xi32>
      %add3A_504 = arith.addi %get3A_501, %add3A_503 : vector<16xi32>
      %add3A_505 = arith.constant 12800 : i32
      %add3A_506 = arith.addi %add3A_505, %mul3A_223 : i32
      %swap3A_507 = arith.index_cast %add3A_506 : i32 to index
      %swap3A_508 = tpu.vector_load %arg7[%swap3A_507] {strides = array<i32>} : memref<13312xi32, #tpu.memory_space<vmem>>, vector<16xi32>,
      tpu.vector_store %arg7[%swap3A_507], %add3A_504 {strides = array<i32>} : memref<13312xi32, #tpu.memory_space<vmem>>, vector<16xi32>,
    }
    %scan3A_169 = arith.constant 32 : i32
    %dma_wait3A_170 = arith.constant 0 : i32
    %dma_wait3A_171 = tpu.memref_slice %arg11[%dma_wait3A_170] : memref<11000xf32, #tpu.memory_space<vmem>> -> memref<11000xf32, #tpu.memory_space<vmem>>
    %dma_wait3A_172 = tpu.memref_slice %arg13[%add3A_126] : memref<1040000xf32, #tpu.memory_space<vmem_shared>> -> memref<11000xf32, #tpu.memory_space<vmem_shared>>
    %dma_wait3A_173 = tpu.memref_slice %arg13[%add3A_126] : memref<1040000xf32, #tpu.memory_space<vmem_shared>> -> memref<11000xf32, #tpu.memory_space<vmem_shared>>
    %dma_wait3A_174 = arith.constant 0 : i32
    %dma_wait3A_175 = tpu.memref_slice %arg11[%dma_wait3A_174] : memref<11000xf32, #tpu.memory_space<vmem>> -> memref<11000xf32, #tpu.memory_space<vmem>>
    tpu.wait_dma2 semaphore(%arg16 : memref<!tpu.dma_semaphore, #tpu.memory_space<semaphore_mem>>) src(%dma_wait3A_175 : memref<11000xf32, #tpu.memory_space<vmem>>) dst(%dma_wait3A_173 : memref<11000xf32, #tpu.memory_space<vmem_shared>>)
    %dma_wait3A_176 = arith.constant 0 : i32
    %dma_wait3A_177 = tpu.memref_slice %arg12[%dma_wait3A_176] : memref<11000xf32, #tpu.memory_space<vmem>> -> memref<10000xf32, #tpu.memory_space<vmem>>
    %dma_wait3A_178 = tpu.memref_slice %arg13[%add3A_154] : memref<1040000xf32, #tpu.memory_space<vmem_shared>> -> memref<10000xf32, #tpu.memory_space<vmem_shared>>
    %dma_wait3A_179 = tpu.memref_slice %arg13[%add3A_154] : memref<1040000xf32, #tpu.memory_space<vmem_shared>> -> memref<10000xf32, #tpu.memory_space<vmem_shared>>
    %dma_wait3A_180 = arith.constant 0 : i32
    %dma_wait3A_181 = tpu.memref_slice %arg12[%dma_wait3A_180] : memref<11000xf32, #tpu.memory_space<vmem>> -> memref<10000xf32, #tpu.memory_space<vmem>>
    tpu.wait_dma2 semaphore(%arg16 : memref<!tpu.dma_semaphore, #tpu.memory_space<semaphore_mem>>) src(%dma_wait3A_181 : memref<10000xf32, #tpu.memory_space<vmem>>) dst(%dma_wait3A_179 : memref<10000xf32, #tpu.memory_space<vmem_shared>>)
    %barrier3A = arith.constant 0 : index
    tpu.barrier barrier_id(%barrier3A)
    %dma_start3A_182 = arith.constant 0 : i32
    %dma_start3A_183 = tpu.memref_slice %arg8[%dma_start3A_182] : memref<13312xf32, #tpu.memory_space<vmem>> -> memref<6656xf32, #tpu.memory_space<vmem>>
    %dma_start3A_184 = arith.constant 0 : i32
    %dma_start3A_185 = tpu.memref_slice %arg7[%dma_start3A_184] : memref<13312xi32, #tpu.memory_space<vmem>> -> memref<6656xi32, #tpu.memory_space<vmem>>
    %dma_start3A_186 = arith.constant 0 : i32
    %dma_start3A_187 = tpu.memref_slice %arg13[%dma_start3A_186] : memref<1040000xf32, #tpu.memory_space<vmem_shared>> -> memref<1040000xf32, #tpu.memory_space<vmem_shared>>
    tpu.enqueue_indirect_dma source(%dma_start3A_187 : memref<1040000xf32, #tpu.memory_space<vmem_shared>>) target(%dma_start3A_183 : memref<6656xf32, #tpu.memory_space<vmem>>) offsets(%dma_start3A_185 : memref<6656xi32, #tpu.memory_space<vmem>>) semaphore(%arg17 : memref<!tpu.dma_semaphore, #tpu.memory_space<semaphore_mem>>)
    %dma_start3A_188 = arith.constant 6656 : i32
    %dma_start3A_189 = tpu.memref_slice %arg8[%dma_start3A_188] : memref<13312xf32, #tpu.memory_space<vmem>> -> memref<6656xf32, #tpu.memory_space<vmem>>
    %dma_start3A_190 = arith.constant 6656 : i32
    %dma_start3A_191 = tpu.memref_slice %arg7[%dma_start3A_190] : memref<13312xi32, #tpu.memory_space<vmem>> -> memref<6656xi32, #tpu.memory_space<vmem>>
    %dma_start3A_192 = arith.constant 0 : i32
    %dma_start3A_193 = tpu.memref_slice %arg13[%dma_start3A_192] : memref<1040000xf32, #tpu.memory_space<vmem_shared>> -> memref<1040000xf32, #tpu.memory_space<vmem_shared>>
    tpu.enqueue_indirect_dma source(%dma_start3A_193 : memref<1040000xf32, #tpu.memory_space<vmem_shared>>) target(%dma_start3A_189 : memref<6656xf32, #tpu.memory_space<vmem>>) offsets(%dma_start3A_191 : memref<6656xi32, #tpu.memory_space<vmem>>) semaphore(%arg18 : memref<!tpu.dma_semaphore, #tpu.memory_space<semaphore_mem>>)
    %get3A = arith.constant 0 : index
    %get3A_194 = tpu.vector_load %arg9[%get3A] {strides = array<i32>} : memref<16xf32, #tpu.memory_space<vmem>>, vector<16xf32>,
    %dma_wait3A_195 = arith.constant 0 : i32
    %dma_wait3A_196 = tpu.memref_slice %arg8[%dma_wait3A_195] : memref<13312xf32, #tpu.memory_space<vmem>> -> memref<6656xf32, #tpu.memory_space<vmem>>
    %dma_wait3A_197 = arith.constant 0 : i32
    %dma_wait3A_198 = tpu.memref_slice %arg7[%dma_wait3A_197] : memref<13312xi32, #tpu.memory_space<vmem>> -> memref<6656xi32, #tpu.memory_space<vmem>>
    %dma_wait3A_199 = arith.constant 0 : i32
    %dma_wait3A_200 = tpu.memref_slice %arg13[%dma_wait3A_199] : memref<1040000xf32, #tpu.memory_space<vmem_shared>> -> memref<1040000xf32, #tpu.memory_space<vmem_shared>>
    tpu.wait_indirect_dma semaphore(%arg17 : memref<!tpu.dma_semaphore, #tpu.memory_space<semaphore_mem>>) src(%dma_wait3A_200 : memref<1040000xf32, #tpu.memory_space<vmem_shared>>) dst(%dma_wait3A_196 : memref<6656xf32, #tpu.memory_space<vmem>>)
    %scan3A_201 = arith.constant 0 : i32
    %scan3A_202 = arith.constant 0 : i32
    %scan3A_203 = arith.constant 32 : i32
    %scan3A_204 = arith.addi %scan3A_202, %scan3A_203 : i32
    %scan3A_205 = arith.constant 1 : i32
    scf.for %scan3A_221 = %scan3A_202 to %scan3A_204 step %scan3A_205  : i32 {
      %mul3A_222 = arith.constant 16 : i32
      %mul3A_223 = arith.muli %scan3A_221, %mul3A_222 : i32
      %get3A_224 = arith.index_cast %mul3A_223 : i32 to index
      %get3A_225 = tpu.vector_load %arg8[%get3A_224] {strides = array<i32>} : memref<13312xf32, #tpu.memory_space<vmem>>, vector<16xf32>,
      %add3A_226 = arith.constant 512 : i32
      %add3A_227 = arith.addi %add3A_226, %mul3A_223 : i32
      %get3A_228 = arith.index_cast %add3A_227 : i32 to index
      %get3A_229 = tpu.vector_load %arg8[%get3A_228] {strides = array<i32>} : memref<13312xf32, #tpu.memory_space<vmem>>, vector<16xf32>,
      %add3A_230 = arith.addf %get3A_225, %get3A_229 : vector<16xf32>
      %add3A_231 = arith.constant 1024 : i32
      %add3A_232 = arith.addi %add3A_231, %mul3A_223 : i32
      %get3A_233 = arith.index_cast %add3A_232 : i32 to index
      %get3A_234 = tpu.vector_load %arg8[%get3A_233] {strides = array<i32>} : memref<13312xf32, #tpu.memory_space<vmem>>, vector<16xf32>,
      %add3A_235 = arith.addf %add3A_230, %get3A_234 : vector<16xf32>
      %add3A_236 = arith.constant 1536 : i32
      %add3A_237 = arith.addi %add3A_236, %mul3A_223 : i32
      %get3A_238 = arith.index_cast %add3A_237 : i32 to index
      %get3A_239 = tpu.vector_load %arg8[%get3A_238] {strides = array<i32>} : memref<13312xf32, #tpu.memory_space<vmem>>, vector<16xf32>,
      %add3A_240 = arith.addf %add3A_235, %get3A_239 : vector<16xf32>
      %add3A_241 = arith.constant 2048 : i32
      %add3A_242 = arith.addi %add3A_241, %mul3A_223 : i32
      %get3A_243 = arith.index_cast %add3A_242 : i32 to index
      %get3A_244 = tpu.vector_load %arg8[%get3A_243] {strides = array<i32>} : memref<13312xf32, #tpu.memory_space<vmem>>, vector<16xf32>,
      %add3A_245 = arith.addf %add3A_240, %get3A_244 : vector<16xf32>
      %add3A_246 = arith.constant 2560 : i32
      %add3A_247 = arith.addi %add3A_246, %mul3A_223 : i32
      %get3A_248 = arith.index_cast %add3A_247 : i32 to index
      %get3A_249 = tpu.vector_load %arg8[%get3A_248] {strides = array<i32>} : memref<13312xf32, #tpu.memory_space<vmem>>, vector<16xf32>,
      %add3A_250 = arith.addf %add3A_245, %get3A_249 : vector<16xf32>
      %add3A_251 = arith.constant 3072 : i32
      %add3A_252 = arith.addi %add3A_251, %mul3A_223 : i32
      %get3A_253 = arith.index_cast %add3A_252 : i32 to index
      %get3A_254 = tpu.vector_load %arg8[%get3A_253] {strides = array<i32>} : memref<13312xf32, #tpu.memory_space<vmem>>, vector<16xf32>,
      %add3A_255 = arith.addf %add3A_250, %get3A_254 : vector<16xf32>
      %add3A_256 = arith.constant 3584 : i32
      %add3A_257 = arith.addi %add3A_256, %mul3A_223 : i32
      %get3A_258 = arith.index_cast %add3A_257 : i32 to index
      %get3A_259 = tpu.vector_load %arg8[%get3A_258] {strides = array<i32>} : memref<13312xf32, #tpu.memory_space<vmem>>, vector<16xf32>,
      %add3A_260 = arith.addf %add3A_255, %get3A_259 : vector<16xf32>
      %add3A_261 = arith.constant 4096 : i32
      %add3A_262 = arith.addi %add3A_261, %mul3A_223 : i32
      %get3A_263 = arith.index_cast %add3A_262 : i32 to index
      %get3A_264 = tpu.vector_load %arg8[%get3A_263] {strides = array<i32>} : memref<13312xf32, #tpu.memory_space<vmem>>, vector<16xf32>,
      %add3A_265 = arith.addf %add3A_260, %get3A_264 : vector<16xf32>
      %add3A_266 = arith.constant 4608 : i32
      %add3A_267 = arith.addi %add3A_266, %mul3A_223 : i32
      %get3A_268 = arith.index_cast %add3A_267 : i32 to index
      %get3A_269 = tpu.vector_load %arg8[%get3A_268] {strides = array<i32>} : memref<13312xf32, #tpu.memory_space<vmem>>, vector<16xf32>,
      %add3A_270 = arith.addf %add3A_265, %get3A_269 : vector<16xf32>
      %add3A_271 = arith.constant 5120 : i32
      %add3A_272 = arith.addi %add3A_271, %mul3A_223 : i32
      %get3A_273 = arith.index_cast %add3A_272 : i32 to index
      %get3A_274 = tpu.vector_load %arg8[%get3A_273] {strides = array<i32>} : memref<13312xf32, #tpu.memory_space<vmem>>, vector<16xf32>,
      %add3A_275 = arith.addf %add3A_270, %get3A_274 : vector<16xf32>
      %add3A_276 = arith.constant 5632 : i32
      %add3A_277 = arith.addi %add3A_276, %mul3A_223 : i32
      %get3A_278 = arith.index_cast %add3A_277 : i32 to index
      %get3A_279 = tpu.vector_load %arg8[%get3A_278] {strides = array<i32>} : memref<13312xf32, #tpu.memory_space<vmem>>, vector<16xf32>,
      %add3A_280 = arith.addf %add3A_275, %get3A_279 : vector<16xf32>
      %add3A_281 = arith.constant 6144 : i32
      %add3A_282 = arith.addi %add3A_281, %mul3A_223 : i32
      %get3A_283 = arith.index_cast %add3A_282 : i32 to index
      %get3A_284 = tpu.vector_load %arg8[%get3A_283] {strides = array<i32>} : memref<13312xf32, #tpu.memory_space<vmem>>, vector<16xf32>,
      %add3A_285 = arith.addf %add3A_280, %get3A_284 : vector<16xf32>
      %add3A_286 = arith.addf %add3A_285, %get3A_194 : vector<16xf32>
      %swap3A = arith.index_cast %mul3A_223 : i32 to index
      %swap3A_287 = tpu.vector_load %arg10[%swap3A] {strides = array<i32>} : memref<512xf32, #tpu.memory_space<vmem>>, vector<16xf32>,
      tpu.vector_store %arg10[%swap3A], %add3A_286 {strides = array<i32>} : memref<512xf32, #tpu.memory_space<vmem>>, vector<16xf32>,
    }
    %scan3A_206 = arith.constant 32 : i32
    %dma_wait3A_207 = arith.constant 6656 : i32
    %dma_wait3A_208 = tpu.memref_slice %arg8[%dma_wait3A_207] : memref<13312xf32, #tpu.memory_space<vmem>> -> memref<6656xf32, #tpu.memory_space<vmem>>
    %dma_wait3A_209 = arith.constant 6656 : i32
    %dma_wait3A_210 = tpu.memref_slice %arg7[%dma_wait3A_209] : memref<13312xi32, #tpu.memory_space<vmem>> -> memref<6656xi32, #tpu.memory_space<vmem>>
    %dma_wait3A_211 = arith.constant 0 : i32
    %dma_wait3A_212 = tpu.memref_slice %arg13[%dma_wait3A_211] : memref<1040000xf32, #tpu.memory_space<vmem_shared>> -> memref<1040000xf32, #tpu.memory_space<vmem_shared>>
    tpu.wait_indirect_dma semaphore(%arg18 : memref<!tpu.dma_semaphore, #tpu.memory_space<semaphore_mem>>) src(%dma_wait3A_212 : memref<1040000xf32, #tpu.memory_space<vmem_shared>>) dst(%dma_wait3A_208 : memref<6656xf32, #tpu.memory_space<vmem>>)
    %scan3A_213 = arith.constant 0 : i32
    %scan3A_214 = arith.constant 0 : i32
    %scan3A_215 = arith.constant 32 : i32
    %scan3A_216 = arith.addi %scan3A_214, %scan3A_215 : i32
    %scan3A_217 = arith.constant 1 : i32
    scf.for %scan3A_221 = %scan3A_214 to %scan3A_216 step %scan3A_217  : i32 {
      %mul3A_222 = arith.constant 16 : i32
      %mul3A_223 = arith.muli %scan3A_221, %mul3A_222 : i32
      %get3A_224 = arith.index_cast %mul3A_223 : i32 to index
      %get3A_225 = tpu.vector_load %arg10[%get3A_224] {strides = array<i32>} : memref<512xf32, #tpu.memory_space<vmem>>, vector<16xf32>,
      %add3A_226 = arith.constant 6656 : i32
      %add3A_227 = arith.addi %add3A_226, %mul3A_223 : i32
      %get3A_228 = arith.index_cast %add3A_227 : i32 to index
      %get3A_229 = tpu.vector_load %arg8[%get3A_228] {strides = array<i32>} : memref<13312xf32, #tpu.memory_space<vmem>>, vector<16xf32>,
      %add3A_230 = arith.addf %get3A_225, %get3A_229 : vector<16xf32>
      %add3A_231 = arith.constant 7168 : i32
      %add3A_232 = arith.addi %add3A_231, %mul3A_223 : i32
      %get3A_233 = arith.index_cast %add3A_232 : i32 to index
      %get3A_234 = tpu.vector_load %arg8[%get3A_233] {strides = array<i32>} : memref<13312xf32, #tpu.memory_space<vmem>>, vector<16xf32>,
      %add3A_235 = arith.addf %add3A_230, %get3A_234 : vector<16xf32>
      %add3A_236 = arith.constant 7680 : i32
      %add3A_237 = arith.addi %add3A_236, %mul3A_223 : i32
      %get3A_238 = arith.index_cast %add3A_237 : i32 to index
      %get3A_239 = tpu.vector_load %arg8[%get3A_238] {strides = array<i32>} : memref<13312xf32, #tpu.memory_space<vmem>>, vector<16xf32>,
      %add3A_240 = arith.addf %add3A_235, %get3A_239 : vector<16xf32>
      %add3A_241 = arith.constant 8192 : i32
      %add3A_242 = arith.addi %add3A_241, %mul3A_223 : i32
      %get3A_243 = arith.index_cast %add3A_242 : i32 to index
      %get3A_244 = tpu.vector_load %arg8[%get3A_243] {strides = array<i32>} : memref<13312xf32, #tpu.memory_space<vmem>>, vector<16xf32>,
      %add3A_245 = arith.addf %add3A_240, %get3A_244 : vector<16xf32>
      %add3A_246 = arith.constant 8704 : i32
      %add3A_247 = arith.addi %add3A_246, %mul3A_223 : i32
      %get3A_248 = arith.index_cast %add3A_247 : i32 to index
      %get3A_249 = tpu.vector_load %arg8[%get3A_248] {strides = array<i32>} : memref<13312xf32, #tpu.memory_space<vmem>>, vector<16xf32>,
      %add3A_250 = arith.addf %add3A_245, %get3A_249 : vector<16xf32>
      %add3A_251 = arith.constant 9216 : i32
      %add3A_252 = arith.addi %add3A_251, %mul3A_223 : i32
      %get3A_253 = arith.index_cast %add3A_252 : i32 to index
      %get3A_254 = tpu.vector_load %arg8[%get3A_253] {strides = array<i32>} : memref<13312xf32, #tpu.memory_space<vmem>>, vector<16xf32>,
      %add3A_255 = arith.addf %add3A_250, %get3A_254 : vector<16xf32>
      %add3A_256 = arith.constant 9728 : i32
      %add3A_257 = arith.addi %add3A_256, %mul3A_223 : i32
      %get3A_258 = arith.index_cast %add3A_257 : i32 to index
      %get3A_259 = tpu.vector_load %arg8[%get3A_258] {strides = array<i32>} : memref<13312xf32, #tpu.memory_space<vmem>>, vector<16xf32>,
      %add3A_260 = arith.addf %add3A_255, %get3A_259 : vector<16xf32>
      %add3A_261 = arith.constant 10240 : i32
      %add3A_262 = arith.addi %add3A_261, %mul3A_223 : i32
      %get3A_263 = arith.index_cast %add3A_262 : i32 to index
      %get3A_264 = tpu.vector_load %arg8[%get3A_263] {strides = array<i32>} : memref<13312xf32, #tpu.memory_space<vmem>>, vector<16xf32>,
      %add3A_265 = arith.addf %add3A_260, %get3A_264 : vector<16xf32>
      %add3A_266 = arith.constant 10752 : i32
      %add3A_267 = arith.addi %add3A_266, %mul3A_223 : i32
      %get3A_268 = arith.index_cast %add3A_267 : i32 to index
      %get3A_269 = tpu.vector_load %arg8[%get3A_268] {strides = array<i32>} : memref<13312xf32, #tpu.memory_space<vmem>>, vector<16xf32>,
      %add3A_270 = arith.addf %add3A_265, %get3A_269 : vector<16xf32>
      %add3A_271 = arith.constant 11264 : i32
      %add3A_272 = arith.addi %add3A_271, %mul3A_223 : i32
      %get3A_273 = arith.index_cast %add3A_272 : i32 to index
      %get3A_274 = tpu.vector_load %arg8[%get3A_273] {strides = array<i32>} : memref<13312xf32, #tpu.memory_space<vmem>>, vector<16xf32>,
      %add3A_275 = arith.addf %add3A_270, %get3A_274 : vector<16xf32>
      %add3A_276 = arith.constant 11776 : i32
      %add3A_277 = arith.addi %add3A_276, %mul3A_223 : i32
      %get3A_278 = arith.index_cast %add3A_277 : i32 to index
      %get3A_279 = tpu.vector_load %arg8[%get3A_278] {strides = array<i32>} : memref<13312xf32, #tpu.memory_space<vmem>>, vector<16xf32>,
      %add3A_280 = arith.addf %add3A_275, %get3A_279 : vector<16xf32>
      %add3A_281 = arith.constant 12288 : i32
      %add3A_282 = arith.addi %add3A_281, %mul3A_223 : i32
      %get3A_283 = arith.index_cast %add3A_282 : i32 to index
      %get3A_284 = tpu.vector_load %arg8[%get3A_283] {strides = array<i32>} : memref<13312xf32, #tpu.memory_space<vmem>>, vector<16xf32>,
      %add3A_285 = arith.addf %add3A_280, %get3A_284 : vector<16xf32>
      %add3A_286 = arith.constant 12800 : i32
      %add3A_287 = arith.addi %add3A_286, %mul3A_223 : i32
      %get3A_288 = arith.index_cast %add3A_287 : i32 to index
      %get3A_289 = tpu.vector_load %arg8[%get3A_288] {strides = array<i32>} : memref<13312xf32, #tpu.memory_space<vmem>>, vector<16xf32>,
      %add3A_290 = arith.addf %add3A_285, %get3A_289 : vector<16xf32>
      %swap3A = arith.index_cast %mul3A_223 : i32 to index
      %swap3A_291 = tpu.vector_load %arg10[%swap3A] {strides = array<i32>} : memref<512xf32, #tpu.memory_space<vmem>>, vector<16xf32>,
      tpu.vector_store %arg10[%swap3A], %add3A_290 {strides = array<i32>} : memref<512xf32, #tpu.memory_space<vmem>>, vector<16xf32>,
    }
    %scan3A_218 = arith.constant 32 : i32
    %mul3A_219 = arith.constant 512 : i32
    %mul3A_220 = arith.muli %add3A, %mul3A_219 : i32
    "tpu.region"() ({
      %run_scoped3A = tpu.sem_alloc : memref<!tpu.dma_semaphore, #tpu.memory_space<semaphore_mem>>
      %dma_start3A_221 = tpu.memref_slice %arg5[%mul3A_220] : memref<16384xf32, #tpu.memory_space<hbm>> -> memref<512xf32, #tpu.memory_space<hbm>>
      %dma_start3A_222 = tpu.memref_slice %arg5[%mul3A_220] : memref<16384xf32, #tpu.memory_space<hbm>> -> memref<512xf32, #tpu.memory_space<hbm>>
      tpu.enqueue_dma source(%arg10 : memref<512xf32, #tpu.memory_space<vmem>>) target(%dma_start3A_222 : memref<512xf32, #tpu.memory_space<hbm>>) target_semaphore(%run_scoped3A : memref<!tpu.dma_semaphore, #tpu.memory_space<semaphore_mem>>)
      %dma_wait3A_223 = tpu.memref_slice %arg5[%mul3A_220] : memref<16384xf32, #tpu.memory_space<hbm>> -> memref<512xf32, #tpu.memory_space<hbm>>
      %dma_wait3A_224 = tpu.memref_slice %arg5[%mul3A_220] : memref<16384xf32, #tpu.memory_space<hbm>> -> memref<512xf32, #tpu.memory_space<hbm>>
      tpu.wait_dma2 semaphore(%run_scoped3A : memref<!tpu.dma_semaphore, #tpu.memory_space<semaphore_mem>>) src(%arg10 : memref<512xf32, #tpu.memory_space<vmem>>) dst(%dma_wait3A_224 : memref<512xf32, #tpu.memory_space<hbm>>)
      tpu.yield
    }) : () -> ()
    return
  }
}

</mosaic_0001>

<sc_bundles>
// kernel: kernel.3.cloned.1.call-start
scs
__scs_entry_jumppad:
0x0: {  	(pc) =	sbr.rel $0x88, $3  }
0x1: {  	(tag) =	ssettag $0x0;
	lr =	simm.s32 $0x1  }
0x2: {  	[smem:$0x3F9E] =	sst lr;
	_ =	strace $0xD0000000  }
0x3: {  	_ = 	snop  }
0x4: {  	_ = 	snop  }
0x5: {  	_ = 	snop  }
0x6: {  	_ = 	snop  }
0x7: {  	_ = 	snop  }
__scs_overlays_trampoline_lowered:
0x8: {  	[smem:$0x3FAD] =	sst s0  }
0x9: {  	[smem:$0x3FAE] =	sst s1  }
0xa: {  	[smem:$0x3FAF] =	sst s2  }
0xb: {  	[smem:$0x3FB0] =	sst s3  }
0xc: {  	[smem:$0x3FB1] =	sst s4  }
0xd: {  	[smem:$0x3FB2] =	sst s5  }
0xe: {  	[smem:$0x3FB3] =	sst s6  }
0xf: {  	[smem:$0x3FB4] =	sst s7  }
0x10: {  	[smem:$0x3FB5] =	sst s8  }
0x11: {  	[smem:$0x3FB6] =	sst s9;
	s0 =	simm.s32 @!p0 $0x0  }
0x12: {  	s1 =	sld [smem:$0x3F9C];
	s0 =	simm.s32 @p0 $0x1  }
0x13: {  	[smem:$0x3FB7] =	sst s0;
	s0 =	simm.s32 @!p1 $0x0  }
0x14: {  	s2 =	sld [smem:$0x3F9B];
	s0 =	simm.s32 @p1 $0x1  }
0x15: {  	[smem:$0x3FB8] =	sst s0;
	s0 =	simm.s32 @!p2 $0x0  }
0x16: {  	s3 =	sld [smem:$0x3FDB];
	s0 =	simm.s32 @p2 $0x1  }
0x17: {  	s4 =	simm.s32 $0x1BF5;
	[smem:$0x3FBA] =	sst s0  }
0x18: {  	s0 =	sld [smem:$0x3F9D];
	_ =	swait.ge [sflag:s4], $0x0  }
0x19: {  	s7 =	sld [smem:$0x3F9E]  }
0x1a: {  	s8 =	sadd.s32 $0xFFFFE003, lr  }
0x1b: {  	s9 =	sadd.s32 $0xFFFFFEF7, lr;
	s5 =	simm.s32 $0xFFFFFFFF;
	p2 =	slt.u32 s8, $0xFFFFF086  }
0x1c: {  	p1 =	slt.u32 s9, $0xF7A;
	s5 =	simm.s32 @!p2 $0x0  }
0x1d: {  	s5 =	simm.s32 @p1 $0x1;
	p0 =	seq.s32 s7, s2  }
0x1e: {  	s7 =	smul.u32 @!p0 $0xF7A, s2;
	p2 =	seq.s32 @!p0 s5, $0x0  }
0x1f: {  	s9 =	smul.u32 $0xF7A, s1;
	s8 =	simm.s32 @!p0 $0x1BF5;
	p2 =	por !p2, p0  }
0x20: {  	[sflag:s8] =	ssyncset.s32 @!p0 $0xFFFFF086;
	s6 =	sadd.s32 @!p0 s3, s7;
	s7 =	simm.s32 @!p0 $0x108  }
0x21: {  	s3 =	sadd.s32 s3, s9;
	s6 =	sadd.s32 @!p0 $0x88, s6;
	s7 =	simm.s32 @p2 $0x1082  }
0x22: {  	[simem:s7], [sflag:s8] =	dma.local @!p0 [hbm:s6], $0xF7A  }
0x23: {  	s9 =	sor.u32 $0xD0000000, s2;
	s6 =	simm.s32 $0x108;
	_ =	swait.ge @!p0 [sflag:s8], $0x0  }
0x24: {  	s3 =	sadd.s32 $0x88, s3;
	s6 =	simm.s32 @!p1 $0x1082;
	[sflag:s4] =	ssyncset.s32 $0xFFFFF086  }
0x25: {  	[simem:s6], [sflag:s4] =	dma.local [hbm:s3], $0xF7A  }
0x26: {  	[smem:$0x3F9E] =	sst s1;
	(tag) =	ssettag s2;
	_ =	strace s9  }
0x27: {  	s1 =	sld [smem:$0x3FAE]  }
0x28: {  	s2 =	sld [smem:$0x3FAF]  }
0x29: {  	s4 =	sld [smem:$0x3FB1]  }
0x2a: {  	p0 =	seq.s32 s5, $0x0;
	s5 =	sld [smem:$0x3FB2]  }
0x2b: {  	s6 =	sld [smem:$0x3FB3]  }
0x2c: {  	s7 =	sld [smem:$0x3FB4]  }
0x2d: {  	s3 =	simm.s32 $0x108;
	s8 =	sld [smem:$0x3FB5]  }
0x2e: {  	s3 =	simm.s32 @!p0 $0x1082;
	s9 =	sld [smem:$0x3FB6]  }
0x2f: {  	lr =	sadd.s32 s0, s3;
	s0 =	sld [smem:$0x3FAD]  }
0x30: {  	s3 =	sld [smem:$0x3FB0]  }
0x31: {  	[smem:$0x3FB9] =	sst s10  }
0x32: {  	s10 =	sld [smem:$0x3FB7];
	_ =	sdelay $0x3  }
0x33: {  	p0 =	seq.s32 s10, $0x1;
	s10 =	sld [smem:$0x3FB9];
	_ =	sdelay $0x3  }
0x34: {  	[smem:$0x3FB9] =	sst s10  }
0x35: {  	s10 =	sld [smem:$0x3FB8];
	_ =	sdelay $0x3  }
0x36: {  	p1 =	seq.s32 s10, $0x1;
	s10 =	sld [smem:$0x3FB9];
	_ =	sdelay $0x3  }
0x37: {  	[smem:$0x3FB9] =	sst s10  }
0x38: {  	s10 =	sld [smem:$0x3FBA]  }
0x39: {  	_ = 	snop;
	(pc) =	sbr.ind lr, $3  }
0x3a: {  	_ = 	snop  }
0x3b: {  	_ = 	snop  }
0x3c: {  	p2 =	seq.s32 s10, $0x1;
	s10 =	sld [smem:$0x3FB9]  }
0x3d: {  	_ =	shalt  }
0x3e: {  	_ =	shalt  }
0x3f: {  	_ =	shalt  }
0x40: {  	_ =	shalt  }
0x41: {  	_ =	shalt  }
0x42: {  	_ =	shalt  }
0x43: {  	_ =	shalt  }
0x44: {  	_ =	shalt  }
0x45: {  	_ =	shalt  }
0x46: {  	_ =	shalt  }
0x47: {  	_ =	shalt  }
0x48: {  	_ =	shalt  }
0x49: {  	_ =	shalt  }
0x4a: {  	_ =	shalt  }
0x4b: {  	_ =	shalt  }
0x4c: {  	_ =	shalt  }
0x4d: {  	_ =	shalt  }
0x4e: {  	_ =	shalt  }
0x4f: {  	_ =	shalt  }
0x50: {  	_ =	shalt  }
0x51: {  	_ =	shalt  }
0x52: {  	_ =	shalt  }
0x53: {  	_ =	shalt  }
0x54: {  	_ =	shalt  }
0x55: {  	_ =	shalt  }
0x56: {  	_ =	shalt  }
0x57: {  	_ =	shalt  }
0x58: {  	_ =	shalt  }
0x59: {  	_ =	shalt  }
0x5a: {  	_ =	shalt  }
0x5b: {  	_ =	shalt  }
0x5c: {  	_ =	shalt  }
0x5d: {  	_ =	shalt  }
0x5e: {  	_ =	shalt  }
0x5f: {  	_ =	shalt  }
0x60: {  	_ =	shalt  }
0x61: {  	_ =	shalt  }
0x62: {  	_ =	shalt  }
0x63: {  	_ =	shalt  }
0x64: {  	_ =	shalt  }
0x65: {  	_ =	shalt  }
0x66: {  	_ =	shalt  }
0x67: {  	_ =	shalt  }
0x68: {  	_ =	shalt  }
0x69: {  	_ =	shalt  }
0x6a: {  	_ =	shalt  }
0x6b: {  	_ =	shalt  }
0x6c: {  	_ =	shalt  }
0x6d: {  	_ =	shalt  }
0x6e: {  	_ =	shalt  }
0x6f: {  	_ =	shalt  }
0x70: {  	_ =	shalt  }
0x71: {  	_ =	shalt  }
0x72: {  	_ =	shalt  }
0x73: {  	_ =	shalt  }
0x74: {  	_ =	shalt  }
0x75: {  	_ =	shalt  }
0x76: {  	_ =	shalt  }
0x77: {  	_ =	shalt  }
0x78: {  	_ =	shalt  }
0x79: {  	_ =	shalt  }
0x7a: {  	_ =	shalt  }
0x7b: {  	_ =	shalt  }
0x7c: {  	_ =	shalt  }
0x7d: {  	_ =	shalt  }
0x7e: {  	_ =	shalt  }
0x7f: {  	_ =	shalt  }
0x80: {  	_ =	shalt  }
0x81: {  	_ =	shalt  }
0x82: {  	_ =	shalt  }
0x83: {  	_ =	shalt  }
0x84: {  	_ =	shalt  }
0x85: {  	_ =	shalt  }
0x86: {  	_ =	shalt  }
0x87: {  	_ =	shalt  }
.Lfunc_end0:
.L_simem_size_0:
called_computation_lowered:
.L_overlay_start_0:
0x88: {  	s2 =	sld [smem:$0x3FD9]  }
0x89: {  	s3 =	sld [smem:$0x3FFE];
	_ =	sdelay $0x1  }
0x8a: {  	s1 =	srdreg.scid  }
0x8b: {  	s0 =	sand.u32 $0x1, s1  }
0x8c: {  	s17 =	sshll.u32 s0, $0xA;
	s2 =	sadd.s32 s3, s2  }
0x8d: {  	s2 =	sadd.s32 s2, s17  }
0x8e: {  	[smem:$0x3FC5] =	sst s2  }
0x8f: {  	_ = 	snop  }
0x90: {  	s2 =	sld [smem:$0x3FC9]  }
0x91: {  	s18 =	sld [smem:$0x3FD0];
	(tm) =	ssettm $0x1  }
0x92: {  	s4 =	sld [smem:$0x3FFB];
	_ =	sdelay $0x3  }
0x93: {  	_ =	strace s4  }
0x94: {  	s4 =	sld [smem:$0x3FFC];
	_ =	sdelay $0x3  }
0x95: {  	_ =	strace s4  }
0x96: {  	s4 =	sld [smem:$0x3FFD];
	_ =	sdelay $0x3  }
0x97: {  	_ =	strace s4  }
0x98: {  	_ =	strace $0x8FFFFFFF  }
0x99: {  	s19 =	sld [smem:$0x3FDB];
	_ =	sdelay $0x1  }
0x9a: {  	s5 =	simm.s32 $_scs_section_size  }
0x9b: {  	s6 =	simm.s32 $_size__tile_overlayer_lowered;
	s7 =	simm.s32 $_tile_overlayer_lowered  }
0x9c: {  	s22 =	simm.s32 $0x1BFF;
	s21 =	sshll.u32 s7, $0x1;
	s4 =	sadd.s32 s5, s19  }
0x9d: {  	s8 =	simm.s32 $0x0;
	s20 =	sshll.u32 s6, $0x1;
	s6 =	sadd.s32 s21, s4  }
0x9e: {  	[timem:s8], [sflag:s22] =	dma.local [hbm:s6], s20  }
0x9f: {  	_ =	swait.ge [sflag:s22], s20  }
0xa0: {  	s5 =	ssub.s32 $0x0, s20;
	[sflag:s22] =	ssyncset.done $0x0  }
0xa1: {  	[sflag:s22] =	ssyncadd.s32 s5;
	_ =	sdelay $0x1  }
0xa2: {  	s23 =	simm.s32 $0x1B8B  }
0xa3: {  	_ =	swait.ge [sflag:s23], $0x1  }
0xa4: {  	[sflag:s23] =	ssyncset.done $0x0  }
0xa5: {  	s25 =	simm.s32 $0x1B8E;
	s24 =	sld [smem:$0x3FFE];
	[sflag:s23] =	ssyncadd.s32 $0xFFFFFFFF  }
0xa6: {  	s26 =	simm.s32 $execute0_lowered;
	[smem:$0x3FD2] =	sst s25  }
0xa7: {  	s6 =	sshll.u32 s26, $0x1;
	_ =	strace $0x80000046;
	[dreg:$0x1] =	wrdreg $0xFFFFFFFF  }
0xa8: {  	s28 =	simm.s32 $_size_execute0_lowered;
	s4 =	sadd.s32 s4, s6;
	[dreg:$0x0] =	wrdreg $0x0  }
0xa9: {  	s6 =	sshll.u32 s28, $0x1;
	[dreg:$0x2] =	wrdreg s4  }
0xaa: {  	[dreg:$0x3] =	wrdreg s6  }
0xab: {  	[dreg:$0x4] =	wrdreg $0xC0  }
0xac: {  	_ =	task [dreg:s8], $0x5FFFF  }
0xad: {  	[dreg:$0x1] =	wrdreg $0xFFFFFFFF  }
0xae: {  	[dreg:$0x0] =	wrdreg $0x60  }
0xaf: {  	[dreg:$0x2] =	wrdreg s2  }
0xb0: {  	[dreg:$0x3] =	wrdreg s24  }
0xb1: {  	[dreg:$0x4] =	wrdreg s18  }
0xb2: {  	[dreg:$0x5] =	wrdreg $0x100800  }
0xb3: {  	[dreg:$0x6] =	wrdreg $0x9  }
0xb4: {  	_ =	task.clear_ibuf [dreg:s8], $0x7FFFF;
	_ =	strace $0x90000046  }
0xb5: {  	s29 =	simm.s32 $0x9;
	_ =	strace $0x80000048  }
0xb6: {  	_ =	swait.ge [sflag:s29], $0x1  }
0xb7: {  	[sflag:s29] =	ssyncadd.s32 $0xFFFFFFFF  }
0xb8: {  	_ =	strace $0x90000048  }
0xb9: {  	_ =	sfence  }
0xba: {  	s30 =	sld [smem:$0x0];
	_ =	sdelay $0x2  }
0xbb: {  	s31 =	sshll.u32 s1, $0xD;
	s1 =	sshrl.u32 s1, $0x2  }
0xbc: {  	s3 =	sand.u32 $0x4000, s31;
	s1 =	sadd.s32 s1, s30  }
0xbd: {  	s0 =	sor.u32 s3, s0;
	s1 =	sshll.u32 s1, $0x11  }
0xbe: {  	s0 =	sor.u32 s1, s0  }
0xbf: {  	s0 =	sadd.s32 $0x8F2B, s0  }
0xc0: {  	[sflag:s0] =	ssyncadd.remote.s32 $0x1  }
0xc1: {  	_ =	sfence.sel $0xFFFF  }
0xc2: {  	[dreg:$0x0] =	wrdreg $0xFFFFFFFF;
	(pc) =	sbr.abs _section_cstart, $3  }
0xc3: {  	[dreg:$0x1] =	wrdreg $0xFFFFFFFF  }
0xc4: {  	_ =	task.clear_ibuf [dreg:s8], $0x2FFFF;
	_ =	strace $0x9FFFFFFF  }
0xc5: {  	(tm) =	ssettm $0x7FFFFFFF  }
tec
execute0_lowered:
.L_overlay_start_1:
0x0: {  	(tag) =	ssettag $0x1  }
0x1: {  	s0 =	rddreg [dreg:$0x0]  }
0x2: {  	s3 =	rddreg [dreg:$0x1]  }
0x3: {  	s4 =	rddreg [dreg:$0x2]  }
0x4: {  	s1 =	rddreg [dreg:$0x3]  }
0x5: {  	s2 =	simm.s32 $0x0;
	s5 =	srdreg.scid;
	s9 =	stileid.u32  }
0x6: {  	s28 =	simm.s32 $0x3;
	s29 =	simm.s32 $0x1;
	s30 =	simm.s32 $0x1A00  }
0x7: {  	s31 =	simm.s32 $0x4000;
	[smem:$0x7FF] =	sst s2;
	s5 =	sand.u32 $0x1, s5  }
0x8: {  	s7 =	sadd.s32 $0x1FC00, s3;
	s8 =	smul.u32 $0xFDE8, s9;
	s16 =	sshll.u32 s9, $0x9  }
0x9: {  	_ =	strace $0x80000047;
	s6 =	ssub.s32 $0x2, s5;
	[dreg:$0x5] =	wrdreg s7  }
0xa: {  	s5 =	sshll.u32 s5, $0xD;
	s15 =	sshrl.u32 s6, $0x1;
	s17 =	sshrl.u32 s8, $0x3  }
0xb: {  	s5 =	sor.u32 s16, s5;
	s18 =	sadd.s32 $0x2AF8, s8;
	s20 =	sadd.s32 s8, s1  }
0xc: {  	s21 =	sadd.s32 $0x55F0, s8;
	s13 =	sadd.s32 $0x80E8, s8;
	s25 =	sadd.s32 $0xD6D8, s8  }
0xd: {  	s6 =	ssub.s32 s6, s15;
	s9 =	sadd.s32 s3, s17;
	s0 =	sadd.s32 s0, s5  }
0xe: {  	s19 =	sshrl.u32 s18, $0x3;
	[dreg:$0x8] =	wrdreg s20;
	s22 =	sshrl.u32 s21, $0x3  }
0xf: {  	s23 =	sshrl.u32 s13, $0x3;
	s15 =	sadd.s32 $0xABE0, s8;
	s11 =	sadd.s32 s21, s1  }
0x10: {  	s13 =	sadd.s32 s13, s1;
	s26 =	sshrl.u32 s25, $0x3;
	s5 =	sshrl.u32 s5, $0x3  }
0x11: {  	s17 =	sadd.s32 s25, s1;
	s20 =	simm.s32 $0xAA80;
	[dreg:$0x6] =	wrdreg s9  }
0x12: {  	s25 =	simm.s32 $0x2;
	s21 =	simm.s32 $0x4;
	[dreg:$0x7] =	wrdreg s0  }
0x13: {  	s0 =	sadd.s32 s3, s19;
	s9 =	sadd.s32 s18, s1;
	s10 =	sadd.s32 s3, s22  }
0x14: {  	s12 =	sadd.s32 s3, s23;
	s24 =	sshrl.u32 s15, $0x3;
	s15 =	sadd.s32 s15, s1  }
0x15: {  	s16 =	sadd.s32 s3, s26;
	s18 =	sadd.s32 s4, s5;
	s19 =	smax.u32 s6, $0x1  }
0x16: {  	s26 =	simm.s32 $0xD580;
	s22 =	simm.s32 $0x5;
	[dreg:$0x9] =	wrdreg s0  }
0x17: {  	s14 =	sadd.s32 s3, s24;
	s24 =	simm.s32 $0x6;
	s0 =	simm.s32 $0x0  }
.LBB2_1:
0x18: {  	s3 =	rddreg [dreg:$0x6]  }
0x19: {  	[tilespmem:s20], [sflag:$0x2] =	stream.linear.gather [hbm4b:s3+s2], $0x2AF8, $0x38;
	[tilespmem:$0x1FE68] =	vst v63  }
0x1a: {  	s7 =	rddreg [dreg:$0x7];
	s4 =	simm.s32 $0x1000;
	s5 =	simm.s32 $0x20000  }
0x1b: {  	[tilespmem:s2], [sflag:$0x1] =	stream.strided.gather [hbm4b:s7+s4], $0x4000, s5, s4, $0x38;
	[tilespmem:$0x1FE68] =	vst v63  }
0x1c: {  	s8 =	rddreg [dreg:$0x5];
	s23 =	simm.s32 $0xA800  }
0x1d: {  	[tilespmem:s23], [sflag:$0x6] =	stream.linear.gather [hbm4b:s8+s2], $0x80, $0x38;
	[tilespmem:$0x1FE68] =	vst v63  }
0x1e: {  	_ =	swait.ge [sflag:s24], $0x80  }
0x1f: {  	[sflag:s24] =	ssyncset.done $0x0  }
0x20: {  	[sflag:s24] =	ssyncadd.s32 $0xFFFFFF80  }
0x21: {  	_ =	swait.ge [sflag:s25], $0x2AF8  }
0x22: {  	[sflag:s25] =	ssyncset.done $0x0  }
0x23: {  	s5 =	rddreg [dreg:$0x8];
	[sflag:s25] =	ssyncadd.s32 $0xFFFFD508  }
0x24: {  	[spmem:s5] =	stream.linear.scatter [tilespmem:s20], [sflag:$0x3], $0x2AF8, $0x38;
	[tilespmem:$0x1FE68] =	vst v63  }
0x25: {  	s6 =	rddreg [dreg:$0x9]  }
0x26: {  	[tilespmem:s26], [sflag:$0x2] =	stream.linear.gather [hbm4b:s6+s2], $0x2AF8, $0x38;
	[tilespmem:$0x1FE68] =	vst v63  }
0x27: {  	_ =	swait.ge [sflag:s25], $0x2AF8  }
0x28: {  	[sflag:s25] =	ssyncset.done $0x0  }
0x29: {  	[sflag:s25] =	ssyncadd.s32 $0xFFFFD508  }
0x2a: {  	[spmem:s9] =	stream.linear.scatter [tilespmem:s26], [sflag:$0x3], $0x2AF8, $0x38;
	[tilespmem:$0x1FE68] =	vst v63  }
0x2b: {  	_ =	swait.ge [sflag:s28], $0x2AF8  }
0x2c: {  	[sflag:s28] =	ssyncset.done $0x0  }
0x2d: {  	[sflag:s28] =	ssyncadd.s32 $0xFFFFD508  }
0x2e: {  	[tilespmem:s20], [sflag:$0x2] =	stream.linear.gather [hbm4b:s10+s2], $0x2AF8, $0x38;
	[tilespmem:$0x1FE68] =	vst v63  }
0x2f: {  	_ =	swait.ge [sflag:s25], $0x2AF8  }
0x30: {  	[sflag:s25] =	ssyncset.done $0x0  }
0x31: {  	[sflag:s25] =	ssyncadd.s32 $0xFFFFD508  }
0x32: {  	[spmem:s11] =	stream.linear.scatter [tilespmem:s20], [sflag:$0x3], $0x2AF8, $0x38;
	[tilespmem:$0x1FE68] =	vst v63  }
0x33: {  	_ =	swait.ge [sflag:s28], $0x2AF8  }
0x34: {  	[sflag:s28] =	ssyncset.done $0x0  }
0x35: {  	[sflag:s28] =	ssyncadd.s32 $0xFFFFD508  }
0x36: {  	[tilespmem:s26], [sflag:$0x2] =	stream.linear.gather [hbm4b:s12+s2], $0x2AF8, $0x38;
	[tilespmem:$0x1FE68] =	vst v63  }
0x37: {  	_ =	swait.ge [sflag:s25], $0x2AF8  }
0x38: {  	[sflag:s25] =	ssyncset.done $0x0  }
0x39: {  	[sflag:s25] =	ssyncadd.s32 $0xFFFFD508  }
0x3a: {  	[spmem:s13] =	stream.linear.scatter [tilespmem:s26], [sflag:$0x3], $0x2AF8, $0x38;
	[tilespmem:$0x1FE68] =	vst v63  }
0x3b: {  	_ =	swait.ge [sflag:s28], $0x2AF8  }
0x3c: {  	[sflag:s28] =	ssyncset.done $0x0  }
0x3d: {  	[sflag:s28] =	ssyncadd.s32 $0xFFFFD508  }
0x3e: {  	[tilespmem:s20], [sflag:$0x2] =	stream.linear.gather [hbm4b:s14+s2], $0x2AF8, $0x38;
	[tilespmem:$0x1FE68] =	vst v63  }
0x3f: {  	_ =	swait.ge [sflag:s25], $0x2AF8  }
0x40: {  	[sflag:s25] =	ssyncset.done $0x0  }
0x41: {  	[sflag:s25] =	ssyncadd.s32 $0xFFFFD508  }
0x42: {  	[spmem:s15] =	stream.linear.scatter [tilespmem:s20], [sflag:$0x3], $0x2AF8, $0x38;
	[tilespmem:$0x1FE68] =	vst v63  }
0x43: {  	_ =	swait.ge [sflag:s28], $0x2AF8  }
0x44: {  	[sflag:s28] =	ssyncset.done $0x0  }
0x45: {  	[sflag:s28] =	ssyncadd.s32 $0xFFFFD508  }
0x46: {  	[tilespmem:s26], [sflag:$0x2] =	stream.linear.gather [hbm4b:s16+s2], $0x2710, $0x38;
	[tilespmem:$0x1FE68] =	vst v63  }
0x47: {  	_ =	swait.ge [sflag:s25], $0x2710  }
0x48: {  	[sflag:s25] =	ssyncset.done $0x0  }
0x49: {  	[sflag:s25] =	ssyncadd.s32 $0xFFFFD8F0  }
0x4a: {  	[spmem:s17] =	stream.linear.scatter [tilespmem:s26], [sflag:$0x3], $0x2710, $0x38;
	[tilespmem:$0x1FE68] =	vst v63  }
0x4b: {  	_ =	swait.ge [sflag:s29], $0x4000  }
0x4c: {  	s7 =	sand.u32 $0x70, s2;
	s8 =	sand.u32 $0xC00, s2;
	[sflag:s29] =	ssyncset.done $0x0  }
0x4d: {  	s4 =	sor.u32 s7, s8;
	[sflag:s29] =	ssyncadd.s32 $0xFFFFC000  }
0x4e: {  	v0 =	vld [tilespmem:s4+$0x0];
	_ =	sdelay $0x4  }
0x4f: {  	[tilespmem:s31+$0x0] =	vst v0  }
0x50: {  	v0 =	vld [tilespmem:s4+$0x80];
	_ =	sdelay $0x4  }
0x51: {  	s3 =	sand.u32 $0x1F0, s2;
	v0 =	vadd.s32 $0x9C40, v0  }
0x52: {  	[tilespmem:s3+$0x4200] =	vst v0  }
0x53: {  	v0 =	vld [tilespmem:s4+$0x100];
	_ =	sdelay $0x4  }
0x54: {  	v0 =	vadd.s32 $0x13880, v0  }
0x55: {  	[tilespmem:s3+$0x4400] =	vst v0  }
0x56: {  	v0 =	vld [tilespmem:s4+$0x180];
	_ =	sdelay $0x4  }
0x57: {  	v0 =	vadd.s32 $0x1D4C0, v0  }
0x58: {  	[tilespmem:s3+$0x4600] =	vst v0  }
0x59: {  	v0 =	vld [tilespmem:s4+$0x200];
	_ =	sdelay $0x4  }
0x5a: {  	v0 =	vadd.s32 $0x27100, v0  }
0x5b: {  	[tilespmem:s3+$0x4800] =	vst v0  }
0x5c: {  	v0 =	vld [tilespmem:s4+$0x280];
	_ =	sdelay $0x4  }
0x5d: {  	v0 =	vadd.s32 $0x30D40, v0  }
0x5e: {  	[tilespmem:s3+$0x4A00] =	vst v0  }
0x5f: {  	v0 =	vld [tilespmem:s4+$0x300];
	_ =	sdelay $0x4  }
0x60: {  	s23 =	sor.u32 s2, s2;
	v0 =	vadd.s32 $0x3A980, v0  }
0x61: {  	s5 =	sor.u32 $0x380, s23;
	[tilespmem:s3+$0x4C00] =	vst v0  }
0x62: {  	v0 =	vld [tilespmem:s5+$0x0];
	_ =	sdelay $0x4  }
0x63: {  	v0 =	vadd.s32 $0x445C0, v0  }
0x64: {  	[tilespmem:s3+$0x4E00] =	vst v0  }
0x65: {  	v0 =	vld [tilespmem:s4+$0x1000];
	_ =	sdelay $0x4  }
0x66: {  	v0 =	vadd.s32 $0x4E200, v0  }
0x67: {  	[tilespmem:s3+$0x5000] =	vst v0  }
0x68: {  	v0 =	vld [tilespmem:s4+$0x1080];
	_ =	sdelay $0x4  }
0x69: {  	v0 =	vadd.s32 $0x57E40, v0  }
0x6a: {  	[tilespmem:s3+$0x5200] =	vst v0  }
0x6b: {  	v0 =	vld [tilespmem:s4+$0x1100];
	_ =	sdelay $0x4  }
0x6c: {  	v0 =	vadd.s32 $0x61A80, v0  }
0x6d: {  	[tilespmem:s3+$0x5400] =	vst v0  }
0x6e: {  	v0 =	vld [tilespmem:s4+$0x1180];
	_ =	sdelay $0x4  }
0x6f: {  	v0 =	vadd.s32 $0x6B6C0, v0  }
0x70: {  	[tilespmem:s3+$0x5600] =	vst v0  }
0x71: {  	v0 =	vld [tilespmem:s4+$0x1200];
	_ =	sdelay $0x4  }
0x72: {  	v0 =	vadd.s32 $0x75300, v0  }
0x73: {  	[tilespmem:s3+$0x5800] =	vst v0  }
0x74: {  	v0 =	vld [tilespmem:s4+$0x1280];
	_ =	sdelay $0x4  }
0x75: {  	v0 =	vadd.s32 $0x7EF40, v0  }
0x76: {  	[tilespmem:s3+$0x5A00] =	vst v0  }
0x77: {  	v0 =	vld [tilespmem:s4+$0x1300];
	_ =	sdelay $0x4  }
0x78: {  	v0 =	vadd.s32 $0x88B80, v0  }
0x79: {  	[tilespmem:s3+$0x5C00] =	vst v0  }
0x7a: {  	v0 =	vld [tilespmem:s4+$0x1380];
	_ =	sdelay $0x4  }
0x7b: {  	v0 =	vadd.s32 $0x927C0, v0  }
0x7c: {  	[tilespmem:s3+$0x5E00] =	vst v0  }
0x7d: {  	v0 =	vld [tilespmem:s4+$0x2000];
	_ =	sdelay $0x4  }
0x7e: {  	v0 =	vadd.s32 $0x9C400, v0  }
0x7f: {  	[tilespmem:s3+$0x6000] =	vst v0  }
0x80: {  	v0 =	vld [tilespmem:s4+$0x2080];
	_ =	sdelay $0x4  }
0x81: {  	v0 =	vadd.s32 $0xA6040, v0  }
0x82: {  	[tilespmem:s3+$0x6200] =	vst v0  }
0x83: {  	v0 =	vld [tilespmem:s4+$0x2100];
	_ =	sdelay $0x4  }
0x84: {  	v0 =	vadd.s32 $0xAFC80, v0  }
0x85: {  	[tilespmem:s3+$0x6400] =	vst v0  }
0x86: {  	v0 =	vld [tilespmem:s4+$0x2180];
	_ =	sdelay $0x4  }
0x87: {  	v0 =	vadd.s32 $0xB98C0, v0  }
0x88: {  	[tilespmem:s3+$0x6600] =	vst v0  }
0x89: {  	v0 =	vld [tilespmem:s4+$0x2200];
	_ =	sdelay $0x4  }
0x8a: {  	v0 =	vadd.s32 $0xC3500, v0  }
0x8b: {  	[tilespmem:s3+$0x6800] =	vst v0  }
0x8c: {  	v0 =	vld [tilespmem:s4+$0x2280];
	_ =	sdelay $0x4  }
0x8d: {  	v0 =	vadd.s32 $0xCD140, v0  }
0x8e: {  	[tilespmem:s3+$0x6A00] =	vst v0  }
0x8f: {  	v0 =	vld [tilespmem:s4+$0x2300];
	_ =	sdelay $0x4  }
0x90: {  	v0 =	vadd.s32 $0xD6D80, v0  }
0x91: {  	[tilespmem:s3+$0x6C00] =	vst v0  }
0x92: {  	v0 =	vld [tilespmem:s4+$0x2380];
	_ =	sdelay $0x4  }
0x93: {  	v0 =	vadd.s32 $0xE09C0, v0  }
0x94: {  	[tilespmem:s3+$0x6E00] =	vst v0  }
0x95: {  	v0 =	vld [tilespmem:s4+$0x3000];
	_ =	sdelay $0x4  }
0x96: {  	v0 =	vadd.s32 $0xEA600, v0  }
0x97: {  	[tilespmem:s3+$0x7000] =	vst v0  }
0x98: {  	v0 =	vld [tilespmem:s4+$0x3080];
	_ =	sdelay $0x2  }
0x99: {  	s23 =	simm.s32 $0x10  }
0x9a: {  	s7 =	sand.u32 $0x70, s23;
	s4 =	simm.s32 $0x80  }
0x9b: {  	s6 =	simm.s32 $0x20;
	s5 =	simm.s32 $0x4000;
	s8 =	sand.u32 $0xC00, s4;
	v0 =	vadd.s32 $0xF4240, v0  }
.LBB2_2:
0x9c: {  	p0 =	sne.s32 s6, $0x1F0;
	s7 =	sor.u32 s7, s8;
	[tilespmem:s3+$0x7200] =	vst v0  }
0x9d: {  	v0 =	vld [tilespmem:s7+$0x0];
	_ =	sdelay $0x3  }
0x9e: {  	s5 =	sadd.s32 $0x10, s5  }
0x9f: {  	[tilespmem:s5+$0x0] =	vst v0  }
0xa0: {  	v0 =	vld [tilespmem:s7+$0x80];
	_ =	sdelay $0x4  }
0xa1: {  	s3 =	sand.u32 $0x1F0, s23;
	v0 =	vadd.s32 $0x9C40, v0  }
0xa2: {  	[tilespmem:s3+$0x4200] =	vst v0  }
0xa3: {  	v0 =	vld [tilespmem:s7+$0x100];
	_ =	sdelay $0x4  }
0xa4: {  	v0 =	vadd.s32 $0x13880, v0  }
0xa5: {  	[tilespmem:s3+$0x4400] =	vst v0  }
0xa6: {  	v0 =	vld [tilespmem:s7+$0x180];
	_ =	sdelay $0x4  }
0xa7: {  	v0 =	vadd.s32 $0x1D4C0, v0  }
0xa8: {  	[tilespmem:s3+$0x4600] =	vst v0  }
0xa9: {  	v0 =	vld [tilespmem:s7+$0x200];
	_ =	sdelay $0x4  }
0xaa: {  	v0 =	vadd.s32 $0x27100, v0  }
0xab: {  	[tilespmem:s3+$0x4800] =	vst v0  }
0xac: {  	v0 =	vld [tilespmem:s7+$0x280];
	_ =	sdelay $0x4  }
0xad: {  	v0 =	vadd.s32 $0x30D40, v0  }
0xae: {  	[tilespmem:s3+$0x4A00] =	vst v0  }
0xaf: {  	v0 =	vld [tilespmem:s7+$0x300];
	_ =	sdelay $0x4  }
0xb0: {  	s8 =	sor.u32 s4, s23;
	s23 =	smov.u32 s6;
	v0 =	vadd.s32 $0x3A980, v0  }
0xb1: {  	s8 =	sor.u32 $0x380, s8;
	[tilespmem:s3+$0x4C00] =	vst v0  }
0xb2: {  	v0 =	vld [tilespmem:s8+$0x0];
	_ =	sdelay $0x4  }
0xb3: {  	v0 =	vadd.s32 $0x445C0, v0  }
0xb4: {  	[tilespmem:s3+$0x4E00] =	vst v0  }
0xb5: {  	v0 =	vld [tilespmem:s7+$0x1000];
	_ =	sdelay $0x4  }
0xb6: {  	v0 =	vadd.s32 $0x4E200, v0  }
0xb7: {  	[tilespmem:s3+$0x5000] =	vst v0  }
0xb8: {  	v0 =	vld [tilespmem:s7+$0x1080];
	_ =	sdelay $0x4  }
0xb9: {  	v0 =	vadd.s32 $0x57E40, v0  }
0xba: {  	[tilespmem:s3+$0x5200] =	vst v0  }
0xbb: {  	v0 =	vld [tilespmem:s7+$0x1100];
	_ =	sdelay $0x4  }
0xbc: {  	v0 =	vadd.s32 $0x61A80, v0  }
0xbd: {  	[tilespmem:s3+$0x5400] =	vst v0  }
0xbe: {  	v0 =	vld [tilespmem:s7+$0x1180];
	_ =	sdelay $0x4  }
0xbf: {  	v0 =	vadd.s32 $0x6B6C0, v0  }
0xc0: {  	[tilespmem:s3+$0x5600] =	vst v0  }
0xc1: {  	v0 =	vld [tilespmem:s7+$0x1200];
	_ =	sdelay $0x4  }
0xc2: {  	v0 =	vadd.s32 $0x75300, v0  }
0xc3: {  	[tilespmem:s3+$0x5800] =	vst v0  }
0xc4: {  	v0 =	vld [tilespmem:s7+$0x1280];
	_ =	sdelay $0x4  }
0xc5: {  	v0 =	vadd.s32 $0x7EF40, v0  }
0xc6: {  	[tilespmem:s3+$0x5A00] =	vst v0  }
0xc7: {  	v0 =	vld [tilespmem:s7+$0x1300];
	_ =	sdelay $0x4  }
0xc8: {  	v0 =	vadd.s32 $0x88B80, v0  }
0xc9: {  	[tilespmem:s3+$0x5C00] =	vst v0  }
0xca: {  	v0 =	vld [tilespmem:s7+$0x1380];
	_ =	sdelay $0x4  }
0xcb: {  	v0 =	vadd.s32 $0x927C0, v0  }
0xcc: {  	[tilespmem:s3+$0x5E00] =	vst v0  }
0xcd: {  	v0 =	vld [tilespmem:s7+$0x2000];
	_ =	sdelay $0x4  }
0xce: {  	v0 =	vadd.s32 $0x9C400, v0  }
0xcf: {  	[tilespmem:s3+$0x6000] =	vst v0  }
0xd0: {  	v0 =	vld [tilespmem:s7+$0x2080];
	_ =	sdelay $0x4  }
0xd1: {  	v0 =	vadd.s32 $0xA6040, v0  }
0xd2: {  	[tilespmem:s3+$0x6200] =	vst v0  }
0xd3: {  	v0 =	vld [tilespmem:s7+$0x2100];
	_ =	sdelay $0x4  }
0xd4: {  	v0 =	vadd.s32 $0xAFC80, v0  }
0xd5: {  	[tilespmem:s3+$0x6400] =	vst v0  }
0xd6: {  	v0 =	vld [tilespmem:s7+$0x2180];
	_ =	sdelay $0x4  }
0xd7: {  	v0 =	vadd.s32 $0xB98C0, v0  }
0xd8: {  	[tilespmem:s3+$0x6600] =	vst v0  }
0xd9: {  	v0 =	vld [tilespmem:s7+$0x2200];
	_ =	sdelay $0x4  }
0xda: {  	v0 =	vadd.s32 $0xC3500, v0  }
0xdb: {  	[tilespmem:s3+$0x6800] =	vst v0  }
0xdc: {  	v0 =	vld [tilespmem:s7+$0x2280];
	_ =	sdelay $0x4  }
0xdd: {  	v0 =	vadd.s32 $0xCD140, v0  }
0xde: {  	[tilespmem:s3+$0x6A00] =	vst v0  }
0xdf: {  	v0 =	vld [tilespmem:s7+$0x2300];
	_ =	sdelay $0x4  }
0xe0: {  	v0 =	vadd.s32 $0xD6D80, v0  }
0xe1: {  	[tilespmem:s3+$0x6C00] =	vst v0  }
0xe2: {  	v0 =	vld [tilespmem:s7+$0x2380];
	_ =	sdelay $0x4  }
0xe3: {  	v0 =	vadd.s32 $0xE09C0, v0  }
0xe4: {  	[tilespmem:s3+$0x6E00] =	vst v0  }
0xe5: {  	v0 =	vld [tilespmem:s7+$0x3000];
	_ =	sdelay $0x4  }
0xe6: {  	v0 =	vadd.s32 $0xEA600, v0  }
0xe7: {  	[tilespmem:s3+$0x7000] =	vst v0  }
0xe8: {  	v0 =	vld [tilespmem:s7+$0x3080]  }
.Ltmp0:
0xe9: {  	(pc) =	sbr.rel @p0 .LBB2_2-.Ltmp0, $3  }
0xea: {  	_ =	sdelay $0x1  }
0xeb: {  	s4 =	sadd.s32 $0x80, s4  }
0xec: {  	s6 =	sadd.s32 $0x10, s6;
	s8 =	sand.u32 $0xC00, s4;
	s7 =	sand.u32 $0x70, s23;
	v0 =	vadd.s32 $0xF4240, v0  }
0xed: {  	s6 =	sor.u32 s7, s8;
	[tilespmem:s3+$0x7200] =	vst v0  }
0xee: {  	v0 =	vld [tilespmem:s6+$0x0];
	_ =	sdelay $0x3  }
0xef: {  	s7 =	sadd.s32 $0x10, s5  }
0xf0: {  	[tilespmem:s7+$0x0] =	vst v0  }
0xf1: {  	v0 =	vld [tilespmem:s6+$0x80];
	_ =	sdelay $0x4  }
0xf2: {  	s8 =	sand.u32 $0x1F0, s23;
	v0 =	vadd.s32 $0x9C40, v0  }
0xf3: {  	[tilespmem:s8+$0x4200] =	vst v0  }
0xf4: {  	v0 =	vld [tilespmem:s6+$0x100];
	_ =	sdelay $0x4  }
0xf5: {  	v0 =	vadd.s32 $0x13880, v0  }
0xf6: {  	[tilespmem:s8+$0x4400] =	vst v0  }
0xf7: {  	v0 =	vld [tilespmem:s6+$0x180];
	_ =	sdelay $0x4  }
0xf8: {  	v0 =	vadd.s32 $0x1D4C0, v0  }
0xf9: {  	[tilespmem:s8+$0x4600] =	vst v0  }
0xfa: {  	v0 =	vld [tilespmem:s6+$0x200];
	_ =	sdelay $0x4  }
0xfb: {  	v0 =	vadd.s32 $0x27100, v0  }
0xfc: {  	[tilespmem:s8+$0x4800] =	vst v0  }
0xfd: {  	v0 =	vld [tilespmem:s6+$0x280];
	_ =	sdelay $0x4  }
0xfe: {  	v0 =	vadd.s32 $0x30D40, v0  }
0xff: {  	[tilespmem:s8+$0x4A00] =	vst v0  }
0x100: {  	v0 =	vld [tilespmem:s6+$0x300];
	_ =	sdelay $0x4  }
0x101: {  	s4 =	sor.u32 s4, s23;
	v0 =	vadd.s32 $0x3A980, v0  }
0x102: {  	s4 =	sor.u32 $0x380, s4;
	[tilespmem:s8+$0x4C00] =	vst v0  }
0x103: {  	v0 =	vld [tilespmem:s4+$0x0];
	_ =	sdelay $0x4  }
0x104: {  	v0 =	vadd.s32 $0x445C0, v0  }
0x105: {  	[tilespmem:s8+$0x4E00] =	vst v0  }
0x106: {  	v0 =	vld [tilespmem:s6+$0x1000];
	_ =	sdelay $0x4  }
0x107: {  	v0 =	vadd.s32 $0x4E200, v0  }
0x108: {  	[tilespmem:s8+$0x5000] =	vst v0  }
0x109: {  	v0 =	vld [tilespmem:s6+$0x1080];
	_ =	sdelay $0x4  }
0x10a: {  	v0 =	vadd.s32 $0x57E40, v0  }
0x10b: {  	[tilespmem:s8+$0x5200] =	vst v0  }
0x10c: {  	v0 =	vld [tilespmem:s6+$0x1100];
	_ =	sdelay $0x4  }
0x10d: {  	v0 =	vadd.s32 $0x61A80, v0  }
0x10e: {  	[tilespmem:s8+$0x5400] =	vst v0  }
0x10f: {  	v0 =	vld [tilespmem:s6+$0x1180];
	_ =	sdelay $0x4  }
0x110: {  	v0 =	vadd.s32 $0x6B6C0, v0  }
0x111: {  	[tilespmem:s8+$0x5600] =	vst v0  }
0x112: {  	v0 =	vld [tilespmem:s6+$0x1200];
	_ =	sdelay $0x4  }
0x113: {  	v0 =	vadd.s32 $0x75300, v0  }
0x114: {  	[tilespmem:s8+$0x5800] =	vst v0  }
0x115: {  	v0 =	vld [tilespmem:s6+$0x1280];
	_ =	sdelay $0x4  }
0x116: {  	v0 =	vadd.s32 $0x7EF40, v0  }
0x117: {  	[tilespmem:s8+$0x5A00] =	vst v0  }
0x118: {  	v0 =	vld [tilespmem:s6+$0x1300];
	_ =	sdelay $0x4  }
0x119: {  	v0 =	vadd.s32 $0x88B80, v0  }
0x11a: {  	[tilespmem:s8+$0x5C00] =	vst v0  }
0x11b: {  	v0 =	vld [tilespmem:s6+$0x1380];
	_ =	sdelay $0x4  }
0x11c: {  	v0 =	vadd.s32 $0x927C0, v0  }
0x11d: {  	[tilespmem:s8+$0x5E00] =	vst v0  }
0x11e: {  	v0 =	vld [tilespmem:s6+$0x2000];
	_ =	sdelay $0x4  }
0x11f: {  	v0 =	vadd.s32 $0x9C400, v0  }
0x120: {  	[tilespmem:s8+$0x6000] =	vst v0  }
0x121: {  	v0 =	vld [tilespmem:s6+$0x2080];
	_ =	sdelay $0x4  }
0x122: {  	v0 =	vadd.s32 $0xA6040, v0  }
0x123: {  	[tilespmem:s8+$0x6200] =	vst v0  }
0x124: {  	v0 =	vld [tilespmem:s6+$0x2100];
	_ =	sdelay $0x4  }
0x125: {  	v0 =	vadd.s32 $0xAFC80, v0  }
0x126: {  	[tilespmem:s8+$0x6400] =	vst v0  }
0x127: {  	v0 =	vld [tilespmem:s6+$0x2180];
	_ =	sdelay $0x4  }
0x128: {  	v0 =	vadd.s32 $0xB98C0, v0  }
0x129: {  	[tilespmem:s8+$0x6600] =	vst v0  }
0x12a: {  	v0 =	vld [tilespmem:s6+$0x2200];
	_ =	sdelay $0x4  }
0x12b: {  	v0 =	vadd.s32 $0xC3500, v0  }
0x12c: {  	[tilespmem:s8+$0x6800] =	vst v0  }
0x12d: {  	v0 =	vld [tilespmem:s6+$0x2280];
	_ =	sdelay $0x4  }
0x12e: {  	v0 =	vadd.s32 $0xCD140, v0  }
0x12f: {  	[tilespmem:s8+$0x6A00] =	vst v0  }
0x130: {  	v0 =	vld [tilespmem:s6+$0x2300];
	_ =	sdelay $0x4  }
0x131: {  	v0 =	vadd.s32 $0xD6D80, v0  }
0x132: {  	[tilespmem:s8+$0x6C00] =	vst v0  }
0x133: {  	v0 =	vld [tilespmem:s6+$0x2380];
	_ =	sdelay $0x4  }
0x134: {  	v0 =	vadd.s32 $0xE09C0, v0  }
0x135: {  	[tilespmem:s8+$0x6E00] =	vst v0  }
0x136: {  	v0 =	vld [tilespmem:s6+$0x3000];
	_ =	sdelay $0x4  }
0x137: {  	v0 =	vadd.s32 $0xEA600, v0  }
0x138: {  	[tilespmem:s8+$0x7000] =	vst v0  }
0x139: {  	v0 =	vld [tilespmem:s6+$0x3080];
	_ =	sdelay $0x4  }
0x13a: {  	v0 =	vadd.s32 $0xF4240, v0  }
0x13b: {  	[tilespmem:s8+$0x7200] =	vst v0  }
0x13c: {  	_ =	swait.ge [sflag:s28], $0x2AF8  }
0x13d: {  	[sflag:s28] =	ssyncset.done $0x0  }
0x13e: {  	[sflag:s28] =	ssyncadd.s32 $0xFFFFD508  }
0x13f: {  	_ =	swait.ge [sflag:s28], $0x2710  }
0x140: {  	[sflag:s28] =	ssyncset.done $0x0  }
0x141: {  	[sflag:s28] =	ssyncadd.s32 $0xFFFFD8F0  }
0x142: {  	s23 =	simm.s32 $0x7400;
	[bflag:$0x0] =	sbarrier.arrive $0xFFFF  }
0x143: {  	[tilespmem:s23], [sflag:$0x4] =	stream.indirect.gather [spmem:s1], $0x1, s31, s30, $0xb8;
	[tilespmem:$0x1FE68] =	vst v63  }
0x144: {  	s7 =	simm.s32 $0x8E00;
	s6 =	simm.s32 $0x5A00  }
0x145: {  	[tilespmem:s7], [sflag:$0x5] =	stream.indirect.gather [spmem:s1], $0x1, s6, s30, $0xb8;
	[tilespmem:$0x1FE68] =	vst v63  }
0x146: {  	v0 =	vld [tilespmem:$0xA800];
	_ =	swait.ge [sflag:s21], $0x1A00  }
0x147: {  	s8 =	simm.s32 $0x0;
	[sflag:s21] =	ssyncset.done $0x0  }
0x148: {  	s4 =	sand.u32 $0x1F0, s8;
	[sflag:s21] =	ssyncadd.s32 $0xFFFFE600  }
0x149: {  	v1 =	vld [tilespmem:s4+$0x7600]  }
0x14a: {  	v2 =	vld [tilespmem:s23+$0x0];
	_ =	sdelay $0x1  }
0x14b: {  	v3 =	vld [tilespmem:s4+$0x7800];
	_ =	sdelay $0x1  }
0x14c: {  	v4 =	vld [tilespmem:s4+$0x7A00]  }
0x14d: {  	v1 =	vadd.f32 v1, v2  }
0x14e: {  	v2 =	vld [tilespmem:s4+$0x7C00]  }
0x14f: {  	v1 =	vadd.f32 v3, v1  }
0x150: {  	v3 =	vld [tilespmem:s4+$0x7E00]  }
0x151: {  	v1 =	vadd.f32 v4, v1  }
0x152: {  	v61 =	vld [tilespmem:s4+$0x8000]  }
0x153: {  	v1 =	vadd.f32 v2, v1  }
0x154: {  	v2 =	vld [tilespmem:s4+$0x8200]  }
0x155: {  	v1 =	vadd.f32 v3, v1  }
0x156: {  	v3 =	vld [tilespmem:s4+$0x8400]  }
0x157: {  	v1 =	vadd.f32 v61, v1  }
0x158: {  	v62 =	vld [tilespmem:s4+$0x8600]  }
0x159: {  	v1 =	vadd.f32 v2, v1  }
0x15a: {  	v2 =	vld [tilespmem:s4+$0x8800]  }
0x15b: {  	v1 =	vadd.f32 v3, v1  }
0x15c: {  	v3 =	vld [tilespmem:s4+$0x8A00]  }
0x15d: {  	v1 =	vadd.f32 v62, v1  }
0x15e: {  	v63 =	vld [tilespmem:s4+$0x8C00]  }
0x15f: {  	v1 =	vadd.f32 v2, v1;
	_ =	sdelay $0x1  }
0x160: {  	v1 =	vadd.f32 v3, v1;
	_ =	sdelay $0x1  }
0x161: {  	v1 =	vadd.f32 v63, v1;
	_ =	sdelay $0x1  }
0x162: {  	v1 =	vadd.f32 v1, v0  }
0x163: {  	s3 =	simm.s32 $0xA880;
	s23 =	simm.s32 $0x10  }
0x164: {  	s4 =	sand.u32 $0x1F0, s23;
	[tilespmem:s3+$0x0] =	vst v1  }
0x165: {  	s5 =	simm.s32 $0x7410;
	s6 =	simm.s32 $0x20;
	v1 =	vld [tilespmem:s4+$0x7600]  }
.LBB2_4:
0x166: {  	p0 =	sne.s32 s6, $0x1F0;
	v2 =	vld [tilespmem:s5+$0x0];
	_ =	sdelay $0x1  }
0x167: {  	v3 =	vld [tilespmem:s4+$0x7800];
	_ =	sdelay $0x1  }
0x168: {  	v4 =	vld [tilespmem:s4+$0x7A00]  }
0x169: {  	v1 =	vadd.f32 v1, v2  }
0x16a: {  	v2 =	vld [tilespmem:s4+$0x7C00]  }
0x16b: {  	v1 =	vadd.f32 v3, v1  }
0x16c: {  	v3 =	vld [tilespmem:s4+$0x7E00]  }
0x16d: {  	v1 =	vadd.f32 v4, v1  }
0x16e: {  	v4 =	vld [tilespmem:s4+$0x8000]  }
0x16f: {  	v1 =	vadd.f32 v2, v1  }
0x170: {  	v2 =	vld [tilespmem:s4+$0x8200]  }
0x171: {  	v1 =	vadd.f32 v3, v1  }
0x172: {  	v3 =	vld [tilespmem:s4+$0x8400]  }
0x173: {  	v1 =	vadd.f32 v4, v1  }
0x174: {  	v4 =	vld [tilespmem:s4+$0x8600]  }
0x175: {  	v1 =	vadd.f32 v2, v1  }
0x176: {  	v2 =	vld [tilespmem:s4+$0x8800]  }
0x177: {  	v1 =	vadd.f32 v3, v1  }
0x178: {  	v3 =	vld [tilespmem:s4+$0x8A00]  }
0x179: {  	v1 =	vadd.f32 v4, v1  }
0x17a: {  	v4 =	vld [tilespmem:s4+$0x8C00]  }
0x17b: {  	v1 =	vadd.f32 v2, v1;
	_ =	sdelay $0x1  }
0x17c: {  	v1 =	vadd.f32 v3, v1;
	_ =	sdelay $0x1  }
0x17d: {  	v1 =	vadd.f32 v4, v1  }
.Ltmp1:
0x17e: {  	(pc) =	sbr.rel @p0 .LBB2_4-.Ltmp1, $4  }
0x17f: {  	v1 =	vadd.f32 v1, v0  }
0x180: {  	s3 =	sadd.s32 $0x10, s3  }
0x181: {  	s4 =	sand.u32 $0x1F0, s6;
	[tilespmem:s3+$0x0] =	vst v1  }
0x182: {  	s5 =	sadd.s32 $0x10, s5;
	s6 =	sadd.s32 $0x10, s6;
	v1 =	vld [tilespmem:s4+$0x7600]  }
0x183: {  	v2 =	vld [tilespmem:s5+$0x0];
	_ =	sdelay $0x1  }
0x184: {  	v3 =	vld [tilespmem:s4+$0x7800];
	_ =	sdelay $0x1  }
0x185: {  	v4 =	vld [tilespmem:s4+$0x7A00]  }
0x186: {  	v1 =	vadd.f32 v1, v2  }
0x187: {  	v2 =	vld [tilespmem:s4+$0x7C00]  }
0x188: {  	v1 =	vadd.f32 v3, v1  }
0x189: {  	v3 =	vld [tilespmem:s4+$0x7E00]  }
0x18a: {  	v1 =	vadd.f32 v4, v1  }
0x18b: {  	v61 =	vld [tilespmem:s4+$0x8000]  }
0x18c: {  	v1 =	vadd.f32 v2, v1  }
0x18d: {  	v2 =	vld [tilespmem:s4+$0x8200]  }
0x18e: {  	v1 =	vadd.f32 v3, v1  }
0x18f: {  	v3 =	vld [tilespmem:s4+$0x8400]  }
0x190: {  	v1 =	vadd.f32 v61, v1  }
0x191: {  	v62 =	vld [tilespmem:s4+$0x8600]  }
0x192: {  	v1 =	vadd.f32 v2, v1  }
0x193: {  	v2 =	vld [tilespmem:s4+$0x8800]  }
0x194: {  	v1 =	vadd.f32 v3, v1  }
0x195: {  	v3 =	vld [tilespmem:s4+$0x8A00]  }
0x196: {  	v1 =	vadd.f32 v62, v1  }
0x197: {  	v63 =	vld [tilespmem:s4+$0x8C00]  }
0x198: {  	v1 =	vadd.f32 v2, v1;
	_ =	sdelay $0x1  }
0x199: {  	v1 =	vadd.f32 v3, v1;
	_ =	sdelay $0x1  }
0x19a: {  	v1 =	vadd.f32 v63, v1;
	_ =	sdelay $0x1  }
0x19b: {  	v0 =	vadd.f32 v1, v0  }
0x19c: {  	s3 =	sadd.s32 $0x10, s3  }
0x19d: {  	[tilespmem:s3+$0x0] =	vst v0  }
0x19e: {  	_ =	swait.ge [sflag:s22], $0x1A00  }
0x19f: {  	s23 =	simm.s32 $0x0;
	[sflag:s22] =	ssyncset.done $0x0  }
0x1a0: {  	s4 =	sand.u32 $0x1F0, s23;
	[sflag:s22] =	ssyncadd.s32 $0xFFFFE600  }
0x1a1: {  	s5 =	simm.s32 $0x10;
	s3 =	simm.s32 $0xA880;
	v0 =	vld [tilespmem:s4+$0x8E00]  }
.LBB2_6:
0x1a2: {  	p0 =	sne.s32 s5, $0x1F0;
	v1 =	vld [tilespmem:s3+$0x0];
	_ =	sdelay $0x1  }
0x1a3: {  	v2 =	vld [tilespmem:s4+$0x9000];
	_ =	sdelay $0x1  }
0x1a4: {  	v3 =	vld [tilespmem:s4+$0x9200]  }
0x1a5: {  	v0 =	vadd.f32 v0, v1  }
0x1a6: {  	v1 =	vld [tilespmem:s4+$0x9400]  }
0x1a7: {  	v0 =	vadd.f32 v2, v0  }
0x1a8: {  	v2 =	vld [tilespmem:s4+$0x9600]  }
0x1a9: {  	v0 =	vadd.f32 v3, v0  }
0x1aa: {  	v3 =	vld [tilespmem:s4+$0x9800]  }
0x1ab: {  	v0 =	vadd.f32 v1, v0  }
0x1ac: {  	v1 =	vld [tilespmem:s4+$0x9A00]  }
0x1ad: {  	v0 =	vadd.f32 v2, v0  }
0x1ae: {  	v2 =	vld [tilespmem:s4+$0x9C00]  }
0x1af: {  	v0 =	vadd.f32 v3, v0  }
0x1b0: {  	v3 =	vld [tilespmem:s4+$0x9E00]  }
0x1b1: {  	v0 =	vadd.f32 v1, v0  }
0x1b2: {  	v1 =	vld [tilespmem:s4+$0xA000]  }
0x1b3: {  	v0 =	vadd.f32 v2, v0  }
0x1b4: {  	v2 =	vld [tilespmem:s4+$0xA200]  }
0x1b5: {  	v0 =	vadd.f32 v3, v0  }
0x1b6: {  	v3 =	vld [tilespmem:s4+$0xA400]  }
0x1b7: {  	v0 =	vadd.f32 v1, v0  }
0x1b8: {  	v1 =	vld [tilespmem:s4+$0xA600]  }
0x1b9: {  	v0 =	vadd.f32 v2, v0;
	_ =	sdelay $0x1  }
0x1ba: {  	v0 =	vadd.f32 v3, v0  }
.Ltmp2:
0x1bb: {  	(pc) =	sbr.rel @p0 .LBB2_6-.Ltmp2, $3  }
0x1bc: {  	v0 =	vadd.f32 v1, v0;
	_ =	sdelay $0x1  }
0x1bd: {  	s4 =	sand.u32 $0x1F0, s5;
	[tilespmem:s3+$0x0] =	vst v0  }
0x1be: {  	s5 =	sadd.s32 $0x10, s5;
	s3 =	sadd.s32 $0x10, s3;
	v0 =	vld [tilespmem:s4+$0x8E00]  }
0x1bf: {  	v1 =	vld [tilespmem:s3+$0x0];
	_ =	sdelay $0x1  }
0x1c0: {  	v2 =	vld [tilespmem:s4+$0x9000];
	_ =	sdelay $0x1  }
0x1c1: {  	v3 =	vld [tilespmem:s4+$0x9200]  }
0x1c2: {  	v0 =	vadd.f32 v0, v1  }
0x1c3: {  	v54 =	vld [tilespmem:s4+$0x9400]  }
0x1c4: {  	v0 =	vadd.f32 v2, v0  }
0x1c5: {  	v55 =	vld [tilespmem:s4+$0x9600]  }
0x1c6: {  	v0 =	vadd.f32 v3, v0  }
0x1c7: {  	v56 =	vld [tilespmem:s4+$0x9800]  }
0x1c8: {  	v0 =	vadd.f32 v54, v0  }
0x1c9: {  	v57 =	vld [tilespmem:s4+$0x9A00]  }
0x1ca: {  	v0 =	vadd.f32 v55, v0  }
0x1cb: {  	v58 =	vld [tilespmem:s4+$0x9C00]  }
0x1cc: {  	v0 =	vadd.f32 v56, v0  }
0x1cd: {  	v59 =	vld [tilespmem:s4+$0x9E00]  }
0x1ce: {  	v0 =	vadd.f32 v57, v0  }
0x1cf: {  	v60 =	vld [tilespmem:s4+$0xA000]  }
0x1d0: {  	v0 =	vadd.f32 v58, v0  }
0x1d1: {  	v61 =	vld [tilespmem:s4+$0xA200]  }
0x1d2: {  	v0 =	vadd.f32 v59, v0  }
0x1d3: {  	v62 =	vld [tilespmem:s4+$0xA400]  }
0x1d4: {  	v0 =	vadd.f32 v60, v0  }
0x1d5: {  	v63 =	vld [tilespmem:s4+$0xA600]  }
0x1d6: {  	v0 =	vadd.f32 v61, v0;
	_ =	sdelay $0x1  }
0x1d7: {  	v0 =	vadd.f32 v62, v0;
	_ =	sdelay $0x1  }
0x1d8: {  	s0 =	sadd.s32 $0x1, s0;
	v0 =	vadd.f32 v63, v0  }
0x1d9: {  	p0 =	sne.s32 s0, s19  }
.Ltmp3:
0x1da: {  	s23 =	simm.s32 $0xA880;
	[tilespmem:s3+$0x0] =	vst v0;
	(pc) =	sbr.rel @p0 .LBB2_1-.Ltmp3, $4  }
0x1db: {  	[hbm4b:s18+s2] =	stream.linear.scatter [tilespmem:s23], [sflag:$0x6], $0x200, $0x38;
	[tilespmem:$0x1FE68] =	vst v63  }
0x1dc: {  	_ =	swait.ge [sflag:s24], $0x200  }
0x1dd: {  	[sflag:s24] =	ssyncset.done $0x0  }
0x1de: {  	[sflag:s24] =	ssyncadd.s32 $0xFFFFFE00  }
0x1df: {  	_ =	sfence.sel $0x180000  }
0x1e0: {  	[bflag:$0x0] =	sbarrier.arrive $0xFFFF  }
0x1e1: {  	_ =	strace $0x90000047  }
0x1e2: {  	s0 =	stileid.u32;
	[bflag:$0x2] =	sbarrier.arrive $0xFFFF  }
0x1e3: {  	p0 =	sne.s32 s0, $0x0;
	s0 =	rddreg [dreg:$0x4]  }
0x1e4: {  	s0 =	sadd.s32 @!p0 $0x100000, s0  }
0x1e5: {  	[sflag:s0] =	ssyncadd.tile.s32 @!p0 $0x1;
	_ =	shalt  }
.Lfunc_end2:
_tile_overlayer_lowered:
.L_overlay_start_2:
0x1e6: {  	(tag) =	ssettag $0x2  }
0x1e7: {  	s0 =	rddreg [dreg:$0x0];
	s2 =	stileid.u32  }
0x1e8: {  	s1 =	rddreg [dreg:$0x1];
	p0 =	sne.s32 s2, $0x0  }
0x1e9: {  	s3 =	rddreg [dreg:$0x2];
	[bflag:$0x3] =	sbarrier.arrive $0xFFFF;
	s2 =	simm.s32 @!p0 $0x1C06  }
0x1ea: {  	[timem:s3], [sflag:s2] =	dma.local @!p0 [hbm:s0], s1  }
0x1eb: {  	s0 =	simm.s32 @!p0 $0x6  }
0x1ec: {  	_ =	swait.ge @!p0 [sflag:s0], s1  }
0x1ed: {  	s1 =	ssub.s32 @!p0 $0x0, s1;
	[sflag:s0] =	ssyncset.done @!p0 $0x0  }
0x1ee: {  	[sflag:s0] =	ssyncadd.s32 @!p0 s1  }
0x1ef: {  	[bflag:$0x3] =	sbarrier.arrive $0xFFFF  }
0x1f0: {  	_ =	shalt  }

</sc_bundles>
